<compile_context>
chip_gen: v7x
topology: tpu7x:2x2x1
jax: 0.10.2.dev20260603
libtpu: 0.0.44.dev20260713+nightly
codegen_flags: <defaults>
</compile_context>

<pallas_src>
import jax
import jax.numpy as jnp
from jax import lax
from jax.experimental import pallas as pl
from jax.experimental.pallas import tpu as pltpu
from jax.experimental.pallas import tpu_sc as plsc

_NUM_EMB = 4200
_EMB_DIM = 128
_PAD = 1
_BSZ = 16
_SEQ = 4096
_CHUNK = 128
_NCHUNKS = _SEQ // _CHUNK

_BSIZES = (64, 32, 16, 8, 4, 2, 1)


def _body(lengths_hbm, weight_hbm, out_hbm, wchunk, ztile, len_v,
          setup_sem, main_sem):
    cid = lax.axis_index("c")
    sid = lax.axis_index("s")
    g0 = (sid * 2 + cid) * _CHUNK

    pltpu.async_copy(
        weight_hbm.at[pl.ds(_PAD + 1 + g0, _CHUNK), :], wchunk, setup_sem
    )
    pltpu.async_copy(lengths_hbm, len_v, setup_sem)

    zeros16 = jnp.zeros((16,), jnp.float32)

    def _zero_row(r, carry):
        for kk in range(_EMB_DIM // 16):
            ztile[r, pl.ds(kk * 16, 16)] = zeros16
        return carry

    lax.fori_loop(0, _CHUNK, _zero_row, 0)

    pltpu.make_async_copy(
        weight_hbm.at[pl.ds(0, _CHUNK), :], wchunk, setup_sem
    ).wait()
    pltpu.make_async_copy(lengths_hbm, len_v, setup_sem).wait()

    def _per_batch(b, carry):
        bvec = jnp.broadcast_to(b, (16,)).astype(jnp.int32)
        length = plsc.load_gather(len_v, [bvec])[0]
        cnt = jnp.clip(length - g0, 0, _CHUNK)

        @pl.when(cnt == _CHUNK)
        def _full():
            pltpu.async_copy(
                wchunk, out_hbm.at[b, pl.ds(g0, _CHUNK), :], main_sem
            )

        @pl.when(cnt == 0)
        def _zero():
            pltpu.async_copy(
                ztile, out_hbm.at[b, pl.ds(g0, _CHUNK), :], main_sem
            )

        @pl.when(jnp.logical_and(cnt > 0, cnt < _CHUNK))
        def _boundary():
            off = g0
            rest = _CHUNK - cnt
            for size in _BSIZES:
                take = jnp.bitwise_and(cnt, size)
                cur = off

                @pl.when(take > 0)
                def _copybits(cur=cur, size=size):
                    pltpu.async_copy(
                        wchunk.at[pl.ds(cur - g0, size), :],
                        out_hbm.at[b, pl.ds(cur, size), :],
                        main_sem,
                    )

                off = off + take
            for size in _BSIZES:
                take = jnp.bitwise_and(rest, size)
                cur = off

                @pl.when(take > 0)
                def _zerobits(cur=cur, size=size):
                    pltpu.async_copy(
                        ztile.at[pl.ds(0, size), :],
                        out_hbm.at[b, pl.ds(cur, size), :],
                        main_sem,
                    )

                off = off + take

        return carry

    lax.fori_loop(0, _BSZ, _per_batch, 0)

    pltpu.make_async_copy(
        out_hbm.at[pl.ds(0, _BSZ), pl.ds(0, _CHUNK), :],
        out_hbm.at[pl.ds(0, _BSZ), pl.ds(0, _CHUNK), :],
        main_sem,
    ).wait()


@jax.jit
def _positional_embedding(lengths, weight):
    mesh = plsc.VectorSubcoreMesh(
        core_axis_name="c", subcore_axis_name="s", num_cores=2, num_subcores=16
    )
    return pl.kernel(
        _body,
        out_type=jax.ShapeDtypeStruct((_BSZ, _SEQ, _EMB_DIM), jnp.float32),
        mesh=mesh,
        compiler_params=pltpu.CompilerParams(
            use_tc_tiling_on_sc=False, needs_layout_passes=False
        ),
        scratch_types=[
            pltpu.VMEM((_CHUNK, _EMB_DIM), jnp.float32),
            pltpu.VMEM((_CHUNK, _EMB_DIM), jnp.float32),
            pltpu.VMEM((16,), jnp.int32),
            pltpu.SemaphoreType.DMA,
            pltpu.SemaphoreType.DMA,
        ],
    )(lengths, weight)


def kernel(input, lengths, weight):
    del input
    return _positional_embedding(lengths, weight)

# --- scband reference (transcript-rebuilt; emitter-appended) ---
"""Pipeline reference for scband-positional-embedding-audio-41927470743959 (READ-ONLY COPY).

The authoritative reference and input builder live on the scoring server;
editing this copy changes nothing except your own understanding.
"""

import jax, jax.numpy as jnp
import numpy as np

NUM_EMB = 4200
EMB_DIM = 128
PAD = 1
BSZ = 16
SEQ = 4096
FEAT = 128


def setup_inputs(seed: int = 0) -> dict:
    key = jax.random.key(seed)
    k1, k2, k3 = jax.random.split(key, 3)
    inp = jax.random.normal(k1, (BSZ, SEQ, FEAT), dtype=jnp.float32)
    # lengths in [1, SEQ]; force max length == SEQ so output shape is deterministic
    lengths = jax.random.randint(k2, (BSZ,), 1, SEQ + 1, dtype=jnp.int32)
    lengths = lengths.at[0].set(SEQ)
    # learned positional embedding table (nn.Embedding init ~ N(0,1), padding row zeroed)
    weight = jax.random.normal(k3, (NUM_EMB, EMB_DIM), dtype=jnp.float32)
    weight = weight.at[PAD].set(0.0)
    return {"input": inp, "lengths": lengths, "weight": weight}


def reference(input, lengths, weight):
    # PositionalEmbeddingAudio.forward with left_pad=False, learned=True:
    # pos_tensor[i, :l] = padding_idx + 1 (non-pad marker), rest = padding_idx.
    # LearnedPositionalEmbedding then calls utils.make_positions, which assigns
    # sequential positions padding_idx+1 .. padding_idx+l to non-pad slots and
    # keeps padding_idx for padded slots, then gathers from the embedding table.
    max_length = input.shape[1]
    pos_range = jnp.arange(max_length, dtype=jnp.int32)
    mask = pos_range[None, :] < lengths[:, None]  # [bsz, max_length]
    positions = jnp.where(mask, PAD + 1 + pos_range[None, :], PAD)
    emb = jnp.take(weight, positions, axis=0)  # [bsz, max_length, emb_dim]
    # padding_idx row of the table is zero; masking reproduces nn.Embedding(padding_idx) semantics
    emb = emb * mask[..., None].astype(emb.dtype)
    return emb

if __name__ == "__main__":
    import jax
    _d = setup_inputs()
    print(jax.jit(kernel)(*tuple(_d.values())))

</pallas_src>

<mosaic_0001>
#map = affine_map<(d0, d1) -> (0)>
#map1 = affine_map<(d0, d1) -> (0, 0)>
#map2 = affine_map<(d0, d1) -> (0, 0, 0)>
module attributes {stable_mosaic.version = 14 : i64} {
  func.func @_body(%arg0: i32, %arg1: i32, %arg2: memref<16xi32, #tpu.memory_space<hbm>>, %arg3: memref<4200x128xf32, #tpu.memory_space<hbm>>, %arg4: memref<16x4096x128xf32, #tpu.memory_space<hbm>>, %arg5: memref<128x128xf32, #tpu.memory_space<vmem>>, %arg6: memref<128x128xf32, #tpu.memory_space<vmem>>, %arg7: memref<16xi32, #tpu.memory_space<vmem>>, %arg8: memref<!tpu.dma_semaphore, #tpu.memory_space<semaphore_mem>>, %arg9: memref<!tpu.dma_semaphore, #tpu.memory_space<semaphore_mem>>) attributes {dimension_semantics = [#tpu.dimension_semantics<core_parallel>, #tpu.dimension_semantics<subcore_parallel>], iteration_bounds = array<i64: 2, 16>, scalar_prefetch = 0 : i64, scratch_operands = 5 : i64, tpu.core_type = #tpu.core_type<sc_vector_subcore>, window_params = [{transform_indices = #map}, {transform_indices = #map1}, {transform_indices = #map2}]} {
    %mul3A = arith.constant 2 : i32
    %mul3A_0 = arith.muli %arg1, %mul3A : i32
    %add3A = arith.addi %mul3A_0, %arg0 : i32
    %mul3A_1 = arith.constant 128 : i32
    %mul3A_2 = arith.muli %add3A, %mul3A_1 : i32
    %add3A_3 = arith.constant 2 : i32
    %add3A_4 = arith.addi %add3A_3, %mul3A_2 : i32
    %dma_start3A = arith.constant 0 : i32
    %dma_start3A_5 = tpu.memref_slice %arg3[%add3A_4, %dma_start3A] : memref<4200x128xf32, #tpu.memory_space<hbm>> -> memref<128x128xf32, #tpu.memory_space<hbm>>
    %dma_start3A_6 = arith.constant 0 : i32
    %dma_start3A_7 = tpu.memref_slice %arg3[%add3A_4, %dma_start3A_6] : memref<4200x128xf32, #tpu.memory_space<hbm>> -> memref<128x128xf32, #tpu.memory_space<hbm>>
    tpu.enqueue_dma source(%dma_start3A_7 : memref<128x128xf32, #tpu.memory_space<hbm>>) target(%arg5 : memref<128x128xf32, #tpu.memory_space<vmem>>) target_semaphore(%arg8 : memref<!tpu.dma_semaphore, #tpu.memory_space<semaphore_mem>>)
    tpu.enqueue_dma source(%arg2 : memref<16xi32, #tpu.memory_space<hbm>>) target(%arg7 : memref<16xi32, #tpu.memory_space<vmem>>) target_semaphore(%arg8 : memref<!tpu.dma_semaphore, #tpu.memory_space<semaphore_mem>>)
    %broadcast_in_dim3A = arith.constant 0.000000e+00 : f32
    %broadcast_in_dim3A_8 = vector.broadcast %broadcast_in_dim3A : f32 to vector<16xf32>
    %scan3A = arith.constant 0 : i32
    %scan3A_9 = arith.constant 0 : i32
    %scan3A_10 = arith.constant 128 : i32
    %scan3A_11 = arith.addi %scan3A_9, %scan3A_10 : i32
    %scan3A_12 = arith.constant 1 : i32
    scf.for %scan3A_33 = %scan3A_9 to %scan3A_11 step %scan3A_12  : i32 {
      %swap3A = arith.index_cast %scan3A_33 : i32 to index
      %swap3A_34 = arith.constant 0 : index
      %swap3A_35 = tpu.vector_load %arg6[%swap3A, %swap3A_34] {strides = array<i32>} : memref<128x128xf32, #tpu.memory_space<vmem>>, vector<16xf32>,
      tpu.vector_store %arg6[%swap3A, %swap3A_34], %broadcast_in_dim3A_8 {strides = array<i32>} : memref<128x128xf32, #tpu.memory_space<vmem>>, vector<16xf32>,
      %swap3A_36 = arith.index_cast %scan3A_33 : i32 to index
      %swap3A_37 = arith.constant 16 : index
      %swap3A_38 = tpu.vector_load %arg6[%swap3A_36, %swap3A_37] {strides = array<i32>} : memref<128x128xf32, #tpu.memory_space<vmem>>, vector<16xf32>,
      tpu.vector_store %arg6[%swap3A_36, %swap3A_37], %broadcast_in_dim3A_8 {strides = array<i32>} : memref<128x128xf32, #tpu.memory_space<vmem>>, vector<16xf32>,
      %swap3A_39 = arith.index_cast %scan3A_33 : i32 to index
      %swap3A_40 = arith.constant 32 : index
      %swap3A_41 = tpu.vector_load %arg6[%swap3A_39, %swap3A_40] {strides = array<i32>} : memref<128x128xf32, #tpu.memory_space<vmem>>, vector<16xf32>,
      tpu.vector_store %arg6[%swap3A_39, %swap3A_40], %broadcast_in_dim3A_8 {strides = array<i32>} : memref<128x128xf32, #tpu.memory_space<vmem>>, vector<16xf32>,
      %swap3A_42 = arith.index_cast %scan3A_33 : i32 to index
      %swap3A_43 = arith.constant 48 : index
      %swap3A_44 = tpu.vector_load %arg6[%swap3A_42, %swap3A_43] {strides = array<i32>} : memref<128x128xf32, #tpu.memory_space<vmem>>, vector<16xf32>,
      tpu.vector_store %arg6[%swap3A_42, %swap3A_43], %broadcast_in_dim3A_8 {strides = array<i32>} : memref<128x128xf32, #tpu.memory_space<vmem>>, vector<16xf32>,
      %swap3A_45 = arith.index_cast %scan3A_33 : i32 to index
      %swap3A_46 = arith.constant 64 : index
      %swap3A_47 = tpu.vector_load %arg6[%swap3A_45, %swap3A_46] {strides = array<i32>} : memref<128x128xf32, #tpu.memory_space<vmem>>, vector<16xf32>,
      tpu.vector_store %arg6[%swap3A_45, %swap3A_46], %broadcast_in_dim3A_8 {strides = array<i32>} : memref<128x128xf32, #tpu.memory_space<vmem>>, vector<16xf32>,
      %swap3A_48 = arith.index_cast %scan3A_33 : i32 to index
      %swap3A_49 = arith.constant 80 : index
      %swap3A_50 = tpu.vector_load %arg6[%swap3A_48, %swap3A_49] {strides = array<i32>} : memref<128x128xf32, #tpu.memory_space<vmem>>, vector<16xf32>,
      tpu.vector_store %arg6[%swap3A_48, %swap3A_49], %broadcast_in_dim3A_8 {strides = array<i32>} : memref<128x128xf32, #tpu.memory_space<vmem>>, vector<16xf32>,
      %swap3A_51 = arith.index_cast %scan3A_33 : i32 to index
      %swap3A_52 = arith.constant 96 : index
      %swap3A_53 = tpu.vector_load %arg6[%swap3A_51, %swap3A_52] {strides = array<i32>} : memref<128x128xf32, #tpu.memory_space<vmem>>, vector<16xf32>,
      tpu.vector_store %arg6[%swap3A_51, %swap3A_52], %broadcast_in_dim3A_8 {strides = array<i32>} : memref<128x128xf32, #tpu.memory_space<vmem>>, vector<16xf32>,
      %swap3A_54 = arith.index_cast %scan3A_33 : i32 to index
      %swap3A_55 = arith.constant 112 : index
      %swap3A_56 = tpu.vector_load %arg6[%swap3A_54, %swap3A_55] {strides = array<i32>} : memref<128x128xf32, #tpu.memory_space<vmem>>, vector<16xf32>,
      tpu.vector_store %arg6[%swap3A_54, %swap3A_55], %broadcast_in_dim3A_8 {strides = array<i32>} : memref<128x128xf32, #tpu.memory_space<vmem>>, vector<16xf32>,
    }
    %scan3A_13 = arith.constant 128 : i32
    %dma_wait3A = arith.constant 0 : i32
    %dma_wait3A_14 = arith.constant 0 : i32
    %dma_wait3A_15 = tpu.memref_slice %arg3[%dma_wait3A, %dma_wait3A_14] : memref<4200x128xf32, #tpu.memory_space<hbm>> -> memref<128x128xf32, #tpu.memory_space<hbm>>
    %dma_wait3A_16 = arith.constant 0 : i32
    %dma_wait3A_17 = arith.constant 0 : i32
    %dma_wait3A_18 = tpu.memref_slice %arg3[%dma_wait3A_16, %dma_wait3A_17] : memref<4200x128xf32, #tpu.memory_space<hbm>> -> memref<128x128xf32, #tpu.memory_space<hbm>>
    tpu.wait_dma2 semaphore(%arg8 : memref<!tpu.dma_semaphore, #tpu.memory_space<semaphore_mem>>) src(%dma_wait3A_18 : memref<128x128xf32, #tpu.memory_space<hbm>>) dst(%arg5 : memref<128x128xf32, #tpu.memory_space<vmem>>)
    tpu.wait_dma2 semaphore(%arg8 : memref<!tpu.dma_semaphore, #tpu.memory_space<semaphore_mem>>) src(%arg2 : memref<16xi32, #tpu.memory_space<hbm>>) dst(%arg7 : memref<16xi32, #tpu.memory_space<vmem>>)
    %scan3A_19 = arith.constant 0 : i32
    %scan3A_20 = arith.constant 0 : i32
    %scan3A_21 = arith.constant 16 : i32
    %scan3A_22 = arith.addi %scan3A_20, %scan3A_21 : i32
    %scan3A_23 = arith.constant 1 : i32
    scf.for %scan3A_33 = %scan3A_20 to %scan3A_22 step %scan3A_23  : i32 {
      %broadcast_in_dim3A_34 = vector.broadcast %scan3A_33 : i32 to vector<16xi32>
      %gather3A = tpu.vector_load_idx %arg7[%broadcast_in_dim3A_34] : memref<16xi32, #tpu.memory_space<vmem>>[vector<16xi32>], vector<16xi32>,
      %slice3A = vector.extract_strided_slice %gather3A {offsets = [0], sizes = [1], strides = [1]} : vector<16xi32> to vector<1xi32>
      %squeeze3A = vector.extract %slice3A[0] : i32 from vector<1xi32>
      %sub3A = arith.subi %squeeze3A, %mul3A_2 : i32
      %jit3A = arith.constant 0 : i32
      %jit3A_35 = arith.constant 128 : i32
      %max3A = arith.maxsi %jit3A, %sub3A : i32
      %min3A = arith.minsi %jit3A_35, %max3A : i32
      %eq3A = arith.constant 128 : i32
      %eq3A_36 = arith.cmpi eq, %min3A, %eq3A : i32
      %convert_element_type3A = arith.extui %eq3A_36 : i1 to i32
      %cond3A = arith.constant 0 : i32
      %cond3A_37 = arith.cmpi ne, %convert_element_type3A, %cond3A : i32
      scf.if %cond3A_37 {
        %dma_start3A_48 = arith.constant 0 : i32
        %dma_start3A_49 = tpu.memref_slice %arg4[%scan3A_33, %mul3A_2, %dma_start3A_48] : memref<16x4096x128xf32, #tpu.memory_space<hbm>> -> memref<1x128x128xf32, #tpu.memory_space<hbm>>
        %dma_start3A_50 = tpu.memref_squeeze %dma_start3A_49 : memref<1x128x128xf32, #tpu.memory_space<hbm>> -> memref<128x128xf32, #tpu.memory_space<hbm>>
        %dma_start3A_51 = arith.constant 0 : i32
        %dma_start3A_52 = tpu.memref_slice %arg4[%scan3A_33, %mul3A_2, %dma_start3A_51] : memref<16x4096x128xf32, #tpu.memory_space<hbm>> -> memref<1x128x128xf32, #tpu.memory_space<hbm>>
        %dma_start3A_53 = tpu.memref_squeeze %dma_start3A_52 : memref<1x128x128xf32, #tpu.memory_space<hbm>> -> memref<128x128xf32, #tpu.memory_space<hbm>>
        tpu.enqueue_dma source(%arg5 : memref<128x128xf32, #tpu.memory_space<vmem>>) target(%dma_start3A_53 : memref<128x128xf32, #tpu.memory_space<hbm>>) target_semaphore(%arg9 : memref<!tpu.dma_semaphore, #tpu.memory_space<semaphore_mem>>)
      } else {
      }
      %eq3A_38 = arith.constant 0 : i32
      %eq3A_39 = arith.cmpi eq, %min3A, %eq3A_38 : i32
      %convert_element_type3A_40 = arith.extui %eq3A_39 : i1 to i32
      %cond3A_41 = arith.constant 0 : i32
      %cond3A_42 = arith.cmpi ne, %convert_element_type3A_40, %cond3A_41 : i32
      scf.if %cond3A_42 {
        %dma_start3A_48 = arith.constant 0 : i32
        %dma_start3A_49 = tpu.memref_slice %arg4[%scan3A_33, %mul3A_2, %dma_start3A_48] : memref<16x4096x128xf32, #tpu.memory_space<hbm>> -> memref<1x128x128xf32, #tpu.memory_space<hbm>>
        %dma_start3A_50 = tpu.memref_squeeze %dma_start3A_49 : memref<1x128x128xf32, #tpu.memory_space<hbm>> -> memref<128x128xf32, #tpu.memory_space<hbm>>
        %dma_start3A_51 = arith.constant 0 : i32
        %dma_start3A_52 = tpu.memref_slice %arg4[%scan3A_33, %mul3A_2, %dma_start3A_51] : memref<16x4096x128xf32, #tpu.memory_space<hbm>> -> memref<1x128x128xf32, #tpu.memory_space<hbm>>
        %dma_start3A_53 = tpu.memref_squeeze %dma_start3A_52 : memref<1x128x128xf32, #tpu.memory_space<hbm>> -> memref<128x128xf32, #tpu.memory_space<hbm>>
        tpu.enqueue_dma source(%arg6 : memref<128x128xf32, #tpu.memory_space<vmem>>) target(%dma_start3A_53 : memref<128x128xf32, #tpu.memory_space<hbm>>) target_semaphore(%arg9 : memref<!tpu.dma_semaphore, #tpu.memory_space<semaphore_mem>>)
      } else {
      }
      %gt3A = arith.constant 0 : i32
      %gt3A_43 = arith.cmpi sgt, %min3A, %gt3A : i32
      %lt3A = arith.constant 128 : i32
      %lt3A_44 = arith.cmpi slt, %min3A, %lt3A : i32
      %and3A = arith.andi %gt3A_43, %lt3A_44 : i1
      %convert_element_type3A_45 = arith.extui %and3A : i1 to i32
      %cond3A_46 = arith.constant 0 : i32
      %cond3A_47 = arith.cmpi ne, %convert_element_type3A_45, %cond3A_46 : i32
      scf.if %cond3A_47 {
        %sub3A_48 = arith.constant 128 : i32
        %sub3A_49 = arith.subi %sub3A_48, %min3A : i32
        %and3A_50 = arith.constant 64 : i32
        %and3A_51 = arith.andi %min3A, %and3A_50 : i32
        %gt3A_52 = arith.constant 0 : i32
        %gt3A_53 = arith.cmpi sgt, %and3A_51, %gt3A_52 : i32
        %convert_element_type3A_54 = arith.extui %gt3A_53 : i1 to i32
        %cond3A_55 = arith.constant 0 : i32
        %cond3A_56 = arith.cmpi ne, %convert_element_type3A_54, %cond3A_55 : i32
        scf.if %cond3A_56 {
          %sub3A_162 = arith.subi %mul3A_2, %mul3A_2 : i32
          %dma_start3A_163 = arith.constant 0 : i32
          %dma_start3A_164 = tpu.memref_slice %arg5[%sub3A_162, %dma_start3A_163] : memref<128x128xf32, #tpu.memory_space<vmem>> -> memref<64x128xf32, #tpu.memory_space<vmem>>
          %dma_start3A_165 = arith.constant 0 : i32
          %dma_start3A_166 = tpu.memref_slice %arg4[%scan3A_33, %mul3A_2, %dma_start3A_165] : memref<16x4096x128xf32, #tpu.memory_space<hbm>> -> memref<1x64x128xf32, #tpu.memory_space<hbm>>
          %dma_start3A_167 = tpu.memref_squeeze %dma_start3A_166 : memref<1x64x128xf32, #tpu.memory_space<hbm>> -> memref<64x128xf32, #tpu.memory_space<hbm>>
          %dma_start3A_168 = arith.constant 0 : i32
          %dma_start3A_169 = tpu.memref_slice %arg4[%scan3A_33, %mul3A_2, %dma_start3A_168] : memref<16x4096x128xf32, #tpu.memory_space<hbm>> -> memref<1x64x128xf32, #tpu.memory_space<hbm>>
          %dma_start3A_170 = tpu.memref_squeeze %dma_start3A_169 : memref<1x64x128xf32, #tpu.memory_space<hbm>> -> memref<64x128xf32, #tpu.memory_space<hbm>>
          %dma_start3A_171 = arith.constant 0 : i32
          %dma_start3A_172 = tpu.memref_slice %arg5[%sub3A_162, %dma_start3A_171] : memref<128x128xf32, #tpu.memory_space<vmem>> -> memref<64x128xf32, #tpu.memory_space<vmem>>
          tpu.enqueue_dma source(%dma_start3A_172 : memref<64x128xf32, #tpu.memory_space<vmem>>) target(%dma_start3A_170 : memref<64x128xf32, #tpu.memory_space<hbm>>) target_semaphore(%arg9 : memref<!tpu.dma_semaphore, #tpu.memory_space<semaphore_mem>>)
        } else {
        }
        %add3A_57 = arith.addi %mul3A_2, %and3A_51 : i32
        %and3A_58 = arith.constant 32 : i32
        %and3A_59 = arith.andi %min3A, %and3A_58 : i32
        %gt3A_60 = arith.constant 0 : i32
        %gt3A_61 = arith.cmpi sgt, %and3A_59, %gt3A_60 : i32
        %convert_element_type3A_62 = arith.extui %gt3A_61 : i1 to i32
        %cond3A_63 = arith.constant 0 : i32
        %cond3A_64 = arith.cmpi ne, %convert_element_type3A_62, %cond3A_63 : i32
        scf.if %cond3A_64 {
          %sub3A_162 = arith.subi %add3A_57, %mul3A_2 : i32
          %dma_start3A_163 = arith.constant 0 : i32
          %dma_start3A_164 = tpu.memref_slice %arg5[%sub3A_162, %dma_start3A_163] : memref<128x128xf32, #tpu.memory_space<vmem>> -> memref<32x128xf32, #tpu.memory_space<vmem>>
          %dma_start3A_165 = arith.constant 0 : i32
          %dma_start3A_166 = tpu.memref_slice %arg4[%scan3A_33, %add3A_57, %dma_start3A_165] : memref<16x4096x128xf32, #tpu.memory_space<hbm>> -> memref<1x32x128xf32, #tpu.memory_space<hbm>>
          %dma_start3A_167 = tpu.memref_squeeze %dma_start3A_166 : memref<1x32x128xf32, #tpu.memory_space<hbm>> -> memref<32x128xf32, #tpu.memory_space<hbm>>
          %dma_start3A_168 = arith.constant 0 : i32
          %dma_start3A_169 = tpu.memref_slice %arg4[%scan3A_33, %add3A_57, %dma_start3A_168] : memref<16x4096x128xf32, #tpu.memory_space<hbm>> -> memref<1x32x128xf32, #tpu.memory_space<hbm>>
          %dma_start3A_170 = tpu.memref_squeeze %dma_start3A_169 : memref<1x32x128xf32, #tpu.memory_space<hbm>> -> memref<32x128xf32, #tpu.memory_space<hbm>>
          %dma_start3A_171 = arith.constant 0 : i32
          %dma_start3A_172 = tpu.memref_slice %arg5[%sub3A_162, %dma_start3A_171] : memref<128x128xf32, #tpu.memory_space<vmem>> -> memref<32x128xf32, #tpu.memory_space<vmem>>
          tpu.enqueue_dma source(%dma_start3A_172 : memref<32x128xf32, #tpu.memory_space<vmem>>) target(%dma_start3A_170 : memref<32x128xf32, #tpu.memory_space<hbm>>) target_semaphore(%arg9 : memref<!tpu.dma_semaphore, #tpu.memory_space<semaphore_mem>>)
        } else {
        }
        %add3A_65 = arith.addi %add3A_57, %and3A_59 : i32
        %and3A_66 = arith.constant 16 : i32
        %and3A_67 = arith.andi %min3A, %and3A_66 : i32
        %gt3A_68 = arith.constant 0 : i32
        %gt3A_69 = arith.cmpi sgt, %and3A_67, %gt3A_68 : i32
        %convert_element_type3A_70 = arith.extui %gt3A_69 : i1 to i32
        %cond3A_71 = arith.constant 0 : i32
        %cond3A_72 = arith.cmpi ne, %convert_element_type3A_70, %cond3A_71 : i32
        scf.if %cond3A_72 {
          %sub3A_162 = arith.subi %add3A_65, %mul3A_2 : i32
          %dma_start3A_163 = arith.constant 0 : i32
          %dma_start3A_164 = tpu.memref_slice %arg5[%sub3A_162, %dma_start3A_163] : memref<128x128xf32, #tpu.memory_space<vmem>> -> memref<16x128xf32, #tpu.memory_space<vmem>>
          %dma_start3A_165 = arith.constant 0 : i32
          %dma_start3A_166 = tpu.memref_slice %arg4[%scan3A_33, %add3A_65, %dma_start3A_165] : memref<16x4096x128xf32, #tpu.memory_space<hbm>> -> memref<1x16x128xf32, #tpu.memory_space<hbm>>
          %dma_start3A_167 = tpu.memref_squeeze %dma_start3A_166 : memref<1x16x128xf32, #tpu.memory_space<hbm>> -> memref<16x128xf32, #tpu.memory_space<hbm>>
          %dma_start3A_168 = arith.constant 0 : i32
          %dma_start3A_169 = tpu.memref_slice %arg4[%scan3A_33, %add3A_65, %dma_start3A_168] : memref<16x4096x128xf32, #tpu.memory_space<hbm>> -> memref<1x16x128xf32, #tpu.memory_space<hbm>>
          %dma_start3A_170 = tpu.memref_squeeze %dma_start3A_169 : memref<1x16x128xf32, #tpu.memory_space<hbm>> -> memref<16x128xf32, #tpu.memory_space<hbm>>
          %dma_start3A_171 = arith.constant 0 : i32
          %dma_start3A_172 = tpu.memref_slice %arg5[%sub3A_162, %dma_start3A_171] : memref<128x128xf32, #tpu.memory_space<vmem>> -> memref<16x128xf32, #tpu.memory_space<vmem>>
          tpu.enqueue_dma source(%dma_start3A_172 : memref<16x128xf32, #tpu.memory_space<vmem>>) target(%dma_start3A_170 : memref<16x128xf32, #tpu.memory_space<hbm>>) target_semaphore(%arg9 : memref<!tpu.dma_semaphore, #tpu.memory_space<semaphore_mem>>)
        } else {
        }
        %add3A_73 = arith.addi %add3A_65, %and3A_67 : i32
        %and3A_74 = arith.constant 8 : i32
        %and3A_75 = arith.andi %min3A, %and3A_74 : i32
        %gt3A_76 = arith.constant 0 : i32
        %gt3A_77 = arith.cmpi sgt, %and3A_75, %gt3A_76 : i32
        %convert_element_type3A_78 = arith.extui %gt3A_77 : i1 to i32
        %cond3A_79 = arith.constant 0 : i32
        %cond3A_80 = arith.cmpi ne, %convert_element_type3A_78, %cond3A_79 : i32
        scf.if %cond3A_80 {
          %sub3A_162 = arith.subi %add3A_73, %mul3A_2 : i32
          %dma_start3A_163 = arith.constant 0 : i32
          %dma_start3A_164 = tpu.memref_slice %arg5[%sub3A_162, %dma_start3A_163] : memref<128x128xf32, #tpu.memory_space<vmem>> -> memref<8x128xf32, #tpu.memory_space<vmem>>
          %dma_start3A_165 = arith.constant 0 : i32
          %dma_start3A_166 = tpu.memref_slice %arg4[%scan3A_33, %add3A_73, %dma_start3A_165] : memref<16x4096x128xf32, #tpu.memory_space<hbm>> -> memref<1x8x128xf32, #tpu.memory_space<hbm>>
          %dma_start3A_167 = tpu.memref_squeeze %dma_start3A_166 : memref<1x8x128xf32, #tpu.memory_space<hbm>> -> memref<8x128xf32, #tpu.memory_space<hbm>>
          %dma_start3A_168 = arith.constant 0 : i32
          %dma_start3A_169 = tpu.memref_slice %arg4[%scan3A_33, %add3A_73, %dma_start3A_168] : memref<16x4096x128xf32, #tpu.memory_space<hbm>> -> memref<1x8x128xf32, #tpu.memory_space<hbm>>
          %dma_start3A_170 = tpu.memref_squeeze %dma_start3A_169 : memref<1x8x128xf32, #tpu.memory_space<hbm>> -> memref<8x128xf32, #tpu.memory_space<hbm>>
          %dma_start3A_171 = arith.constant 0 : i32
          %dma_start3A_172 = tpu.memref_slice %arg5[%sub3A_162, %dma_start3A_171] : memref<128x128xf32, #tpu.memory_space<vmem>> -> memref<8x128xf32, #tpu.memory_space<vmem>>
          tpu.enqueue_dma source(%dma_start3A_172 : memref<8x128xf32, #tpu.memory_space<vmem>>) target(%dma_start3A_170 : memref<8x128xf32, #tpu.memory_space<hbm>>) target_semaphore(%arg9 : memref<!tpu.dma_semaphore, #tpu.memory_space<semaphore_mem>>)
        } else {
        }
        %add3A_81 = arith.addi %add3A_73, %and3A_75 : i32
        %and3A_82 = arith.constant 4 : i32
        %and3A_83 = arith.andi %min3A, %and3A_82 : i32
        %gt3A_84 = arith.constant 0 : i32
        %gt3A_85 = arith.cmpi sgt, %and3A_83, %gt3A_84 : i32
        %convert_element_type3A_86 = arith.extui %gt3A_85 : i1 to i32
        %cond3A_87 = arith.constant 0 : i32
        %cond3A_88 = arith.cmpi ne, %convert_element_type3A_86, %cond3A_87 : i32
        scf.if %cond3A_88 {
          %sub3A_162 = arith.subi %add3A_81, %mul3A_2 : i32
          %dma_start3A_163 = arith.constant 0 : i32
          %dma_start3A_164 = tpu.memref_slice %arg5[%sub3A_162, %dma_start3A_163] : memref<128x128xf32, #tpu.memory_space<vmem>> -> memref<4x128xf32, #tpu.memory_space<vmem>>
          %dma_start3A_165 = arith.constant 0 : i32
          %dma_start3A_166 = tpu.memref_slice %arg4[%scan3A_33, %add3A_81, %dma_start3A_165] : memref<16x4096x128xf32, #tpu.memory_space<hbm>> -> memref<1x4x128xf32, #tpu.memory_space<hbm>>
          %dma_start3A_167 = tpu.memref_squeeze %dma_start3A_166 : memref<1x4x128xf32, #tpu.memory_space<hbm>> -> memref<4x128xf32, #tpu.memory_space<hbm>>
          %dma_start3A_168 = arith.constant 0 : i32
          %dma_start3A_169 = tpu.memref_slice %arg4[%scan3A_33, %add3A_81, %dma_start3A_168] : memref<16x4096x128xf32, #tpu.memory_space<hbm>> -> memref<1x4x128xf32, #tpu.memory_space<hbm>>
          %dma_start3A_170 = tpu.memref_squeeze %dma_start3A_169 : memref<1x4x128xf32, #tpu.memory_space<hbm>> -> memref<4x128xf32, #tpu.memory_space<hbm>>
          %dma_start3A_171 = arith.constant 0 : i32
          %dma_start3A_172 = tpu.memref_slice %arg5[%sub3A_162, %dma_start3A_171] : memref<128x128xf32, #tpu.memory_space<vmem>> -> memref<4x128xf32, #tpu.memory_space<vmem>>
          tpu.enqueue_dma source(%dma_start3A_172 : memref<4x128xf32, #tpu.memory_space<vmem>>) target(%dma_start3A_170 : memref<4x128xf32, #tpu.memory_space<hbm>>) target_semaphore(%arg9 : memref<!tpu.dma_semaphore, #tpu.memory_space<semaphore_mem>>)
        } else {
        }
        %add3A_89 = arith.addi %add3A_81, %and3A_83 : i32
        %and3A_90 = arith.constant 2 : i32
        %and3A_91 = arith.andi %min3A, %and3A_90 : i32
        %gt3A_92 = arith.constant 0 : i32
        %gt3A_93 = arith.cmpi sgt, %and3A_91, %gt3A_92 : i32
        %convert_element_type3A_94 = arith.extui %gt3A_93 : i1 to i32
        %cond3A_95 = arith.constant 0 : i32
        %cond3A_96 = arith.cmpi ne, %convert_element_type3A_94, %cond3A_95 : i32
        scf.if %cond3A_96 {
          %sub3A_162 = arith.subi %add3A_89, %mul3A_2 : i32
          %dma_start3A_163 = arith.constant 0 : i32
          %dma_start3A_164 = tpu.memref_slice %arg5[%sub3A_162, %dma_start3A_163] : memref<128x128xf32, #tpu.memory_space<vmem>> -> memref<2x128xf32, #tpu.memory_space<vmem>>
          %dma_start3A_165 = arith.constant 0 : i32
          %dma_start3A_166 = tpu.memref_slice %arg4[%scan3A_33, %add3A_89, %dma_start3A_165] : memref<16x4096x128xf32, #tpu.memory_space<hbm>> -> memref<1x2x128xf32, #tpu.memory_space<hbm>>
          %dma_start3A_167 = tpu.memref_squeeze %dma_start3A_166 : memref<1x2x128xf32, #tpu.memory_space<hbm>> -> memref<2x128xf32, #tpu.memory_space<hbm>>
          %dma_start3A_168 = arith.constant 0 : i32
          %dma_start3A_169 = tpu.memref_slice %arg4[%scan3A_33, %add3A_89, %dma_start3A_168] : memref<16x4096x128xf32, #tpu.memory_space<hbm>> -> memref<1x2x128xf32, #tpu.memory_space<hbm>>
          %dma_start3A_170 = tpu.memref_squeeze %dma_start3A_169 : memref<1x2x128xf32, #tpu.memory_space<hbm>> -> memref<2x128xf32, #tpu.memory_space<hbm>>
          %dma_start3A_171 = arith.constant 0 : i32
          %dma_start3A_172 = tpu.memref_slice %arg5[%sub3A_162, %dma_start3A_171] : memref<128x128xf32, #tpu.memory_space<vmem>> -> memref<2x128xf32, #tpu.memory_space<vmem>>
          tpu.enqueue_dma source(%dma_start3A_172 : memref<2x128xf32, #tpu.memory_space<vmem>>) target(%dma_start3A_170 : memref<2x128xf32, #tpu.memory_space<hbm>>) target_semaphore(%arg9 : memref<!tpu.dma_semaphore, #tpu.memory_space<semaphore_mem>>)
        } else {
        }
        %add3A_97 = arith.addi %add3A_89, %and3A_91 : i32
        %and3A_98 = arith.constant 1 : i32
        %and3A_99 = arith.andi %min3A, %and3A_98 : i32
        %gt3A_100 = arith.constant 0 : i32
        %gt3A_101 = arith.cmpi sgt, %and3A_99, %gt3A_100 : i32
        %convert_element_type3A_102 = arith.extui %gt3A_101 : i1 to i32
        %cond3A_103 = arith.constant 0 : i32
        %cond3A_104 = arith.cmpi ne, %convert_element_type3A_102, %cond3A_103 : i32
        scf.if %cond3A_104 {
          %sub3A_162 = arith.subi %add3A_97, %mul3A_2 : i32
          %dma_start3A_163 = arith.constant 0 : i32
          %dma_start3A_164 = tpu.memref_slice %arg5[%sub3A_162, %dma_start3A_163] : memref<128x128xf32, #tpu.memory_space<vmem>> -> memref<1x128xf32, #tpu.memory_space<vmem>>
          %dma_start3A_165 = arith.constant 0 : i32
          %dma_start3A_166 = tpu.memref_slice %arg4[%scan3A_33, %add3A_97, %dma_start3A_165] : memref<16x4096x128xf32, #tpu.memory_space<hbm>> -> memref<1x1x128xf32, #tpu.memory_space<hbm>>
          %dma_start3A_167 = tpu.memref_squeeze %dma_start3A_166 : memref<1x1x128xf32, #tpu.memory_space<hbm>> -> memref<1x128xf32, #tpu.memory_space<hbm>>
          %dma_start3A_168 = arith.constant 0 : i32
          %dma_start3A_169 = tpu.memref_slice %arg4[%scan3A_33, %add3A_97, %dma_start3A_168] : memref<16x4096x128xf32, #tpu.memory_space<hbm>> -> memref<1x1x128xf32, #tpu.memory_space<hbm>>
          %dma_start3A_170 = tpu.memref_squeeze %dma_start3A_169 : memref<1x1x128xf32, #tpu.memory_space<hbm>> -> memref<1x128xf32, #tpu.memory_space<hbm>>
          %dma_start3A_171 = arith.constant 0 : i32
          %dma_start3A_172 = tpu.memref_slice %arg5[%sub3A_162, %dma_start3A_171] : memref<128x128xf32, #tpu.memory_space<vmem>> -> memref<1x128xf32, #tpu.memory_space<vmem>>
          tpu.enqueue_dma source(%dma_start3A_172 : memref<1x128xf32, #tpu.memory_space<vmem>>) target(%dma_start3A_170 : memref<1x128xf32, #tpu.memory_space<hbm>>) target_semaphore(%arg9 : memref<!tpu.dma_semaphore, #tpu.memory_space<semaphore_mem>>)
        } else {
        }
        %add3A_105 = arith.addi %add3A_97, %and3A_99 : i32
        %and3A_106 = arith.constant 64 : i32
        %and3A_107 = arith.andi %sub3A_49, %and3A_106 : i32
        %gt3A_108 = arith.constant 0 : i32
        %gt3A_109 = arith.cmpi sgt, %and3A_107, %gt3A_108 : i32
        %convert_element_type3A_110 = arith.extui %gt3A_109 : i1 to i32
        %cond3A_111 = arith.constant 0 : i32
        %cond3A_112 = arith.cmpi ne, %convert_element_type3A_110, %cond3A_111 : i32
        scf.if %cond3A_112 {
          %dma_start3A_162 = arith.constant 0 : i32
          %dma_start3A_163 = arith.constant 0 : i32
          %dma_start3A_164 = tpu.memref_slice %arg6[%dma_start3A_162, %dma_start3A_163] : memref<128x128xf32, #tpu.memory_space<vmem>> -> memref<64x128xf32, #tpu.memory_space<vmem>>
          %dma_start3A_165 = arith.constant 0 : i32
          %dma_start3A_166 = tpu.memref_slice %arg4[%scan3A_33, %add3A_105, %dma_start3A_165] : memref<16x4096x128xf32, #tpu.memory_space<hbm>> -> memref<1x64x128xf32, #tpu.memory_space<hbm>>
          %dma_start3A_167 = tpu.memref_squeeze %dma_start3A_166 : memref<1x64x128xf32, #tpu.memory_space<hbm>> -> memref<64x128xf32, #tpu.memory_space<hbm>>
          %dma_start3A_168 = arith.constant 0 : i32
          %dma_start3A_169 = tpu.memref_slice %arg4[%scan3A_33, %add3A_105, %dma_start3A_168] : memref<16x4096x128xf32, #tpu.memory_space<hbm>> -> memref<1x64x128xf32, #tpu.memory_space<hbm>>
          %dma_start3A_170 = tpu.memref_squeeze %dma_start3A_169 : memref<1x64x128xf32, #tpu.memory_space<hbm>> -> memref<64x128xf32, #tpu.memory_space<hbm>>
          %dma_start3A_171 = arith.constant 0 : i32
          %dma_start3A_172 = arith.constant 0 : i32
          %dma_start3A_173 = tpu.memref_slice %arg6[%dma_start3A_171, %dma_start3A_172] : memref<128x128xf32, #tpu.memory_space<vmem>> -> memref<64x128xf32, #tpu.memory_space<vmem>>
          tpu.enqueue_dma source(%dma_start3A_173 : memref<64x128xf32, #tpu.memory_space<vmem>>) target(%dma_start3A_170 : memref<64x128xf32, #tpu.memory_space<hbm>>) target_semaphore(%arg9 : memref<!tpu.dma_semaphore, #tpu.memory_space<semaphore_mem>>)
        } else {
        }
        %add3A_113 = arith.addi %add3A_105, %and3A_107 : i32
        %and3A_114 = arith.constant 32 : i32
        %and3A_115 = arith.andi %sub3A_49, %and3A_114 : i32
        %gt3A_116 = arith.constant 0 : i32
        %gt3A_117 = arith.cmpi sgt, %and3A_115, %gt3A_116 : i32
        %convert_element_type3A_118 = arith.extui %gt3A_117 : i1 to i32
        %cond3A_119 = arith.constant 0 : i32
        %cond3A_120 = arith.cmpi ne, %convert_element_type3A_118, %cond3A_119 : i32
        scf.if %cond3A_120 {
          %dma_start3A_162 = arith.constant 0 : i32
          %dma_start3A_163 = arith.constant 0 : i32
          %dma_start3A_164 = tpu.memref_slice %arg6[%dma_start3A_162, %dma_start3A_163] : memref<128x128xf32, #tpu.memory_space<vmem>> -> memref<32x128xf32, #tpu.memory_space<vmem>>
          %dma_start3A_165 = arith.constant 0 : i32
          %dma_start3A_166 = tpu.memref_slice %arg4[%scan3A_33, %add3A_113, %dma_start3A_165] : memref<16x4096x128xf32, #tpu.memory_space<hbm>> -> memref<1x32x128xf32, #tpu.memory_space<hbm>>
          %dma_start3A_167 = tpu.memref_squeeze %dma_start3A_166 : memref<1x32x128xf32, #tpu.memory_space<hbm>> -> memref<32x128xf32, #tpu.memory_space<hbm>>
          %dma_start3A_168 = arith.constant 0 : i32
          %dma_start3A_169 = tpu.memref_slice %arg4[%scan3A_33, %add3A_113, %dma_start3A_168] : memref<16x4096x128xf32, #tpu.memory_space<hbm>> -> memref<1x32x128xf32, #tpu.memory_space<hbm>>
          %dma_start3A_170 = tpu.memref_squeeze %dma_start3A_169 : memref<1x32x128xf32, #tpu.memory_space<hbm>> -> memref<32x128xf32, #tpu.memory_space<hbm>>
          %dma_start3A_171 = arith.constant 0 : i32
          %dma_start3A_172 = arith.constant 0 : i32
          %dma_start3A_173 = tpu.memref_slice %arg6[%dma_start3A_171, %dma_start3A_172] : memref<128x128xf32, #tpu.memory_space<vmem>> -> memref<32x128xf32, #tpu.memory_space<vmem>>
          tpu.enqueue_dma source(%dma_start3A_173 : memref<32x128xf32, #tpu.memory_space<vmem>>) target(%dma_start3A_170 : memref<32x128xf32, #tpu.memory_space<hbm>>) target_semaphore(%arg9 : memref<!tpu.dma_semaphore, #tpu.memory_space<semaphore_mem>>)
        } else {
        }
        %add3A_121 = arith.addi %add3A_113, %and3A_115 : i32
        %and3A_122 = arith.constant 16 : i32
        %and3A_123 = arith.andi %sub3A_49, %and3A_122 : i32
        %gt3A_124 = arith.constant 0 : i32
        %gt3A_125 = arith.cmpi sgt, %and3A_123, %gt3A_124 : i32
        %convert_element_type3A_126 = arith.extui %gt3A_125 : i1 to i32
        %cond3A_127 = arith.constant 0 : i32
        %cond3A_128 = arith.cmpi ne, %convert_element_type3A_126, %cond3A_127 : i32
        scf.if %cond3A_128 {
          %dma_start3A_162 = arith.constant 0 : i32
          %dma_start3A_163 = arith.constant 0 : i32
          %dma_start3A_164 = tpu.memref_slice %arg6[%dma_start3A_162, %dma_start3A_163] : memref<128x128xf32, #tpu.memory_space<vmem>> -> memref<16x128xf32, #tpu.memory_space<vmem>>
          %dma_start3A_165 = arith.constant 0 : i32
          %dma_start3A_166 = tpu.memref_slice %arg4[%scan3A_33, %add3A_121, %dma_start3A_165] : memref<16x4096x128xf32, #tpu.memory_space<hbm>> -> memref<1x16x128xf32, #tpu.memory_space<hbm>>
          %dma_start3A_167 = tpu.memref_squeeze %dma_start3A_166 : memref<1x16x128xf32, #tpu.memory_space<hbm>> -> memref<16x128xf32, #tpu.memory_space<hbm>>
          %dma_start3A_168 = arith.constant 0 : i32
          %dma_start3A_169 = tpu.memref_slice %arg4[%scan3A_33, %add3A_121, %dma_start3A_168] : memref<16x4096x128xf32, #tpu.memory_space<hbm>> -> memref<1x16x128xf32, #tpu.memory_space<hbm>>
          %dma_start3A_170 = tpu.memref_squeeze %dma_start3A_169 : memref<1x16x128xf32, #tpu.memory_space<hbm>> -> memref<16x128xf32, #tpu.memory_space<hbm>>
          %dma_start3A_171 = arith.constant 0 : i32
          %dma_start3A_172 = arith.constant 0 : i32
          %dma_start3A_173 = tpu.memref_slice %arg6[%dma_start3A_171, %dma_start3A_172] : memref<128x128xf32, #tpu.memory_space<vmem>> -> memref<16x128xf32, #tpu.memory_space<vmem>>
          tpu.enqueue_dma source(%dma_start3A_173 : memref<16x128xf32, #tpu.memory_space<vmem>>) target(%dma_start3A_170 : memref<16x128xf32, #tpu.memory_space<hbm>>) target_semaphore(%arg9 : memref<!tpu.dma_semaphore, #tpu.memory_space<semaphore_mem>>)
        } else {
        }
        %add3A_129 = arith.addi %add3A_121, %and3A_123 : i32
        %and3A_130 = arith.constant 8 : i32
        %and3A_131 = arith.andi %sub3A_49, %and3A_130 : i32
        %gt3A_132 = arith.constant 0 : i32
        %gt3A_133 = arith.cmpi sgt, %and3A_131, %gt3A_132 : i32
        %convert_element_type3A_134 = arith.extui %gt3A_133 : i1 to i32
        %cond3A_135 = arith.constant 0 : i32
        %cond3A_136 = arith.cmpi ne, %convert_element_type3A_134, %cond3A_135 : i32
        scf.if %cond3A_136 {
          %dma_start3A_162 = arith.constant 0 : i32
          %dma_start3A_163 = arith.constant 0 : i32
          %dma_start3A_164 = tpu.memref_slice %arg6[%dma_start3A_162, %dma_start3A_163] : memref<128x128xf32, #tpu.memory_space<vmem>> -> memref<8x128xf32, #tpu.memory_space<vmem>>
          %dma_start3A_165 = arith.constant 0 : i32
          %dma_start3A_166 = tpu.memref_slice %arg4[%scan3A_33, %add3A_129, %dma_start3A_165] : memref<16x4096x128xf32, #tpu.memory_space<hbm>> -> memref<1x8x128xf32, #tpu.memory_space<hbm>>
          %dma_start3A_167 = tpu.memref_squeeze %dma_start3A_166 : memref<1x8x128xf32, #tpu.memory_space<hbm>> -> memref<8x128xf32, #tpu.memory_space<hbm>>
          %dma_start3A_168 = arith.constant 0 : i32
          %dma_start3A_169 = tpu.memref_slice %arg4[%scan3A_33, %add3A_129, %dma_start3A_168] : memref<16x4096x128xf32, #tpu.memory_space<hbm>> -> memref<1x8x128xf32, #tpu.memory_space<hbm>>
          %dma_start3A_170 = tpu.memref_squeeze %dma_start3A_169 : memref<1x8x128xf32, #tpu.memory_space<hbm>> -> memref<8x128xf32, #tpu.memory_space<hbm>>
          %dma_start3A_171 = arith.constant 0 : i32
          %dma_start3A_172 = arith.constant 0 : i32
          %dma_start3A_173 = tpu.memref_slice %arg6[%dma_start3A_171, %dma_start3A_172] : memref<128x128xf32, #tpu.memory_space<vmem>> -> memref<8x128xf32, #tpu.memory_space<vmem>>
          tpu.enqueue_dma source(%dma_start3A_173 : memref<8x128xf32, #tpu.memory_space<vmem>>) target(%dma_start3A_170 : memref<8x128xf32, #tpu.memory_space<hbm>>) target_semaphore(%arg9 : memref<!tpu.dma_semaphore, #tpu.memory_space<semaphore_mem>>)
        } else {
        }
        %add3A_137 = arith.addi %add3A_129, %and3A_131 : i32
        %and3A_138 = arith.constant 4 : i32
        %and3A_139 = arith.andi %sub3A_49, %and3A_138 : i32
        %gt3A_140 = arith.constant 0 : i32
        %gt3A_141 = arith.cmpi sgt, %and3A_139, %gt3A_140 : i32
        %convert_element_type3A_142 = arith.extui %gt3A_141 : i1 to i32
        %cond3A_143 = arith.constant 0 : i32
        %cond3A_144 = arith.cmpi ne, %convert_element_type3A_142, %cond3A_143 : i32
        scf.if %cond3A_144 {
          %dma_start3A_162 = arith.constant 0 : i32
          %dma_start3A_163 = arith.constant 0 : i32
          %dma_start3A_164 = tpu.memref_slice %arg6[%dma_start3A_162, %dma_start3A_163] : memref<128x128xf32, #tpu.memory_space<vmem>> -> memref<4x128xf32, #tpu.memory_space<vmem>>
          %dma_start3A_165 = arith.constant 0 : i32
          %dma_start3A_166 = tpu.memref_slice %arg4[%scan3A_33, %add3A_137, %dma_start3A_165] : memref<16x4096x128xf32, #tpu.memory_space<hbm>> -> memref<1x4x128xf32, #tpu.memory_space<hbm>>
          %dma_start3A_167 = tpu.memref_squeeze %dma_start3A_166 : memref<1x4x128xf32, #tpu.memory_space<hbm>> -> memref<4x128xf32, #tpu.memory_space<hbm>>
          %dma_start3A_168 = arith.constant 0 : i32
          %dma_start3A_169 = tpu.memref_slice %arg4[%scan3A_33, %add3A_137, %dma_start3A_168] : memref<16x4096x128xf32, #tpu.memory_space<hbm>> -> memref<1x4x128xf32, #tpu.memory_space<hbm>>
          %dma_start3A_170 = tpu.memref_squeeze %dma_start3A_169 : memref<1x4x128xf32, #tpu.memory_space<hbm>> -> memref<4x128xf32, #tpu.memory_space<hbm>>
          %dma_start3A_171 = arith.constant 0 : i32
          %dma_start3A_172 = arith.constant 0 : i32
          %dma_start3A_173 = tpu.memref_slice %arg6[%dma_start3A_171, %dma_start3A_172] : memref<128x128xf32, #tpu.memory_space<vmem>> -> memref<4x128xf32, #tpu.memory_space<vmem>>
          tpu.enqueue_dma source(%dma_start3A_173 : memref<4x128xf32, #tpu.memory_space<vmem>>) target(%dma_start3A_170 : memref<4x128xf32, #tpu.memory_space<hbm>>) target_semaphore(%arg9 : memref<!tpu.dma_semaphore, #tpu.memory_space<semaphore_mem>>)
        } else {
        }
        %add3A_145 = arith.addi %add3A_137, %and3A_139 : i32
        %and3A_146 = arith.constant 2 : i32
        %and3A_147 = arith.andi %sub3A_49, %and3A_146 : i32
        %gt3A_148 = arith.constant 0 : i32
        %gt3A_149 = arith.cmpi sgt, %and3A_147, %gt3A_148 : i32
        %convert_element_type3A_150 = arith.extui %gt3A_149 : i1 to i32
        %cond3A_151 = arith.constant 0 : i32
        %cond3A_152 = arith.cmpi ne, %convert_element_type3A_150, %cond3A_151 : i32
        scf.if %cond3A_152 {
          %dma_start3A_162 = arith.constant 0 : i32
          %dma_start3A_163 = arith.constant 0 : i32
          %dma_start3A_164 = tpu.memref_slice %arg6[%dma_start3A_162, %dma_start3A_163] : memref<128x128xf32, #tpu.memory_space<vmem>> -> memref<2x128xf32, #tpu.memory_space<vmem>>
          %dma_start3A_165 = arith.constant 0 : i32
          %dma_start3A_166 = tpu.memref_slice %arg4[%scan3A_33, %add3A_145, %dma_start3A_165] : memref<16x4096x128xf32, #tpu.memory_space<hbm>> -> memref<1x2x128xf32, #tpu.memory_space<hbm>>
          %dma_start3A_167 = tpu.memref_squeeze %dma_start3A_166 : memref<1x2x128xf32, #tpu.memory_space<hbm>> -> memref<2x128xf32, #tpu.memory_space<hbm>>
          %dma_start3A_168 = arith.constant 0 : i32
          %dma_start3A_169 = tpu.memref_slice %arg4[%scan3A_33, %add3A_145, %dma_start3A_168] : memref<16x4096x128xf32, #tpu.memory_space<hbm>> -> memref<1x2x128xf32, #tpu.memory_space<hbm>>
          %dma_start3A_170 = tpu.memref_squeeze %dma_start3A_169 : memref<1x2x128xf32, #tpu.memory_space<hbm>> -> memref<2x128xf32, #tpu.memory_space<hbm>>
          %dma_start3A_171 = arith.constant 0 : i32
          %dma_start3A_172 = arith.constant 0 : i32
          %dma_start3A_173 = tpu.memref_slice %arg6[%dma_start3A_171, %dma_start3A_172] : memref<128x128xf32, #tpu.memory_space<vmem>> -> memref<2x128xf32, #tpu.memory_space<vmem>>
          tpu.enqueue_dma source(%dma_start3A_173 : memref<2x128xf32, #tpu.memory_space<vmem>>) target(%dma_start3A_170 : memref<2x128xf32, #tpu.memory_space<hbm>>) target_semaphore(%arg9 : memref<!tpu.dma_semaphore, #tpu.memory_space<semaphore_mem>>)
        } else {
        }
        %add3A_153 = arith.addi %add3A_145, %and3A_147 : i32
        %and3A_154 = arith.constant 1 : i32
        %and3A_155 = arith.andi %sub3A_49, %and3A_154 : i32
        %gt3A_156 = arith.constant 0 : i32
        %gt3A_157 = arith.cmpi sgt, %and3A_155, %gt3A_156 : i32
        %convert_element_type3A_158 = arith.extui %gt3A_157 : i1 to i32
        %cond3A_159 = arith.constant 0 : i32
        %cond3A_160 = arith.cmpi ne, %convert_element_type3A_158, %cond3A_159 : i32
        scf.if %cond3A_160 {
          %dma_start3A_162 = arith.constant 0 : i32
          %dma_start3A_163 = arith.constant 0 : i32
          %dma_start3A_164 = tpu.memref_slice %arg6[%dma_start3A_162, %dma_start3A_163] : memref<128x128xf32, #tpu.memory_space<vmem>> -> memref<1x128xf32, #tpu.memory_space<vmem>>
          %dma_start3A_165 = arith.constant 0 : i32
          %dma_start3A_166 = tpu.memref_slice %arg4[%scan3A_33, %add3A_153, %dma_start3A_165] : memref<16x4096x128xf32, #tpu.memory_space<hbm>> -> memref<1x1x128xf32, #tpu.memory_space<hbm>>
          %dma_start3A_167 = tpu.memref_squeeze %dma_start3A_166 : memref<1x1x128xf32, #tpu.memory_space<hbm>> -> memref<1x128xf32, #tpu.memory_space<hbm>>
          %dma_start3A_168 = arith.constant 0 : i32
          %dma_start3A_169 = tpu.memref_slice %arg4[%scan3A_33, %add3A_153, %dma_start3A_168] : memref<16x4096x128xf32, #tpu.memory_space<hbm>> -> memref<1x1x128xf32, #tpu.memory_space<hbm>>
          %dma_start3A_170 = tpu.memref_squeeze %dma_start3A_169 : memref<1x1x128xf32, #tpu.memory_space<hbm>> -> memref<1x128xf32, #tpu.memory_space<hbm>>
          %dma_start3A_171 = arith.constant 0 : i32
          %dma_start3A_172 = arith.constant 0 : i32
          %dma_start3A_173 = tpu.memref_slice %arg6[%dma_start3A_171, %dma_start3A_172] : memref<128x128xf32, #tpu.memory_space<vmem>> -> memref<1x128xf32, #tpu.memory_space<vmem>>
          tpu.enqueue_dma source(%dma_start3A_173 : memref<1x128xf32, #tpu.memory_space<vmem>>) target(%dma_start3A_170 : memref<1x128xf32, #tpu.memory_space<hbm>>) target_semaphore(%arg9 : memref<!tpu.dma_semaphore, #tpu.memory_space<semaphore_mem>>)
        } else {
        }
        %add3A_161 = arith.addi %add3A_153, %and3A_155 : i32
      } else {
      }
    }
    %scan3A_24 = arith.constant 16 : i32
    %dma_wait3A_25 = arith.constant 0 : i32
    %dma_wait3A_26 = arith.constant 0 : i32
    %dma_wait3A_27 = arith.constant 0 : i32
    %dma_wait3A_28 = tpu.memref_slice %arg4[%dma_wait3A_25, %dma_wait3A_26, %dma_wait3A_27] : memref<16x4096x128xf32, #tpu.memory_space<hbm>> -> memref<16x128x128xf32, #tpu.memory_space<hbm>>
    %dma_wait3A_29 = arith.constant 0 : i32
    %dma_wait3A_30 = arith.constant 0 : i32
    %dma_wait3A_31 = arith.constant 0 : i32
    %dma_wait3A_32 = tpu.memref_slice %arg4[%dma_wait3A_29, %dma_wait3A_30, %dma_wait3A_31] : memref<16x4096x128xf32, #tpu.memory_space<hbm>> -> memref<16x128x128xf32, #tpu.memory_space<hbm>>
    tpu.wait_dma2 semaphore(%arg9 : memref<!tpu.dma_semaphore, #tpu.memory_space<semaphore_mem>>) src(%dma_wait3A_32 : memref<16x128x128xf32, #tpu.memory_space<hbm>>) dst(%dma_wait3A_28 : memref<16x128x128xf32, #tpu.memory_space<hbm>>)
    return
  }
}

</mosaic_0001>

<sc_bundles>
// kernel: _positional_embedding.3.cloned.1.call-start
scs
__scs_entry_jumppad:
0x0: {  	(pc) =	sbr.rel $0x88, $3  }
0x1: {  	(tag) =	ssettag $0x0;
	lr =	simm.s32 $0x1  }
0x2: {  	[smem:$0x3F9F] =	sst lr;
	_ =	strace $0xD0000000  }
0x3: {  	_ = 	snop  }
0x4: {  	_ = 	snop  }
0x5: {  	_ = 	snop  }
0x6: {  	_ = 	snop  }
0x7: {  	_ = 	snop  }
__scs_overlays_trampoline_lowered:
0x8: {  	[smem:$0x3FAE] =	sst s0  }
0x9: {  	[smem:$0x3FAF] =	sst s1  }
0xa: {  	[smem:$0x3FB0] =	sst s2  }
0xb: {  	[smem:$0x3FB1] =	sst s3  }
0xc: {  	[smem:$0x3FB2] =	sst s4  }
0xd: {  	[smem:$0x3FB3] =	sst s5  }
0xe: {  	[smem:$0x3FB4] =	sst s6  }
0xf: {  	[smem:$0x3FB5] =	sst s7  }
0x10: {  	[smem:$0x3FB6] =	sst s8  }
0x11: {  	[smem:$0x3FB7] =	sst s9;
	s0 =	simm.s32 @!p0 $0x0  }
0x12: {  	s1 =	sld [smem:$0x3F9D];
	s0 =	simm.s32 @p0 $0x1  }
0x13: {  	[smem:$0x3FB8] =	sst s0;
	s0 =	simm.s32 @!p1 $0x0  }
0x14: {  	s2 =	sld [smem:$0x3F9C];
	s0 =	simm.s32 @p1 $0x1  }
0x15: {  	[smem:$0x3FB9] =	sst s0;
	s0 =	simm.s32 @!p2 $0x0  }
0x16: {  	s3 =	sld [smem:$0x3FDB];
	s0 =	simm.s32 @p2 $0x1  }
0x17: {  	s4 =	simm.s32 $0x1BF5;
	[smem:$0x3FBB] =	sst s0  }
0x18: {  	s0 =	sld [smem:$0x3F9E];
	_ =	swait.ge [sflag:s4], $0x0  }
0x19: {  	s7 =	sld [smem:$0x3F9F]  }
0x1a: {  	s8 =	sadd.s32 $0xFFFFE003, lr  }
0x1b: {  	s9 =	sadd.s32 $0xFFFFFEF7, lr;
	s5 =	simm.s32 $0xFFFFFFFF;
	p2 =	slt.u32 s8, $0xFFFFF086  }
0x1c: {  	p1 =	slt.u32 s9, $0xF7A;
	s5 =	simm.s32 @!p2 $0x0  }
0x1d: {  	s5 =	simm.s32 @p1 $0x1;
	p0 =	seq.s32 s7, s2  }
0x1e: {  	s7 =	smul.u32 @!p0 $0xF7A, s2;
	p2 =	seq.s32 @!p0 s5, $0x0  }
0x1f: {  	s9 =	smul.u32 $0xF7A, s1;
	s8 =	simm.s32 @!p0 $0x1BF5;
	p2 =	por !p2, p0  }
0x20: {  	[sflag:s8] =	ssyncset.s32 @!p0 $0xFFFFF086;
	s6 =	sadd.s32 @!p0 s3, s7;
	s7 =	simm.s32 @!p0 $0x108  }
0x21: {  	s3 =	sadd.s32 s3, s9;
	s6 =	sadd.s32 @!p0 $0x88, s6;
	s7 =	simm.s32 @p2 $0x1082  }
0x22: {  	[simem:s7], [sflag:s8] =	dma.local @!p0 [hbm:s6], $0xF7A  }
0x23: {  	s9 =	sor.u32 $0xD0000000, s2;
	s6 =	simm.s32 $0x108;
	_ =	swait.ge @!p0 [sflag:s8], $0x0  }
0x24: {  	s3 =	sadd.s32 $0x88, s3;
	s6 =	simm.s32 @!p1 $0x1082;
	[sflag:s4] =	ssyncset.s32 $0xFFFFF086  }
0x25: {  	[simem:s6], [sflag:s4] =	dma.local [hbm:s3], $0xF7A  }
0x26: {  	[smem:$0x3F9F] =	sst s1;
	(tag) =	ssettag s2;
	_ =	strace s9  }
0x27: {  	s1 =	sld [smem:$0x3FAF]  }
0x28: {  	s2 =	sld [smem:$0x3FB0]  }
0x29: {  	s4 =	sld [smem:$0x3FB2]  }
0x2a: {  	p0 =	seq.s32 s5, $0x0;
	s5 =	sld [smem:$0x3FB3]  }
0x2b: {  	s6 =	sld [smem:$0x3FB4]  }
0x2c: {  	s7 =	sld [smem:$0x3FB5]  }
0x2d: {  	s3 =	simm.s32 $0x108;
	s8 =	sld [smem:$0x3FB6]  }
0x2e: {  	s3 =	simm.s32 @!p0 $0x1082;
	s9 =	sld [smem:$0x3FB7]  }
0x2f: {  	lr =	sadd.s32 s0, s3;
	s0 =	sld [smem:$0x3FAE]  }
0x30: {  	s3 =	sld [smem:$0x3FB1]  }
0x31: {  	[smem:$0x3FBA] =	sst s10  }
0x32: {  	s10 =	sld [smem:$0x3FB8];
	_ =	sdelay $0x3  }
0x33: {  	p0 =	seq.s32 s10, $0x1;
	s10 =	sld [smem:$0x3FBA];
	_ =	sdelay $0x3  }
0x34: {  	[smem:$0x3FBA] =	sst s10  }
0x35: {  	s10 =	sld [smem:$0x3FB9];
	_ =	sdelay $0x3  }
0x36: {  	p1 =	seq.s32 s10, $0x1;
	s10 =	sld [smem:$0x3FBA];
	_ =	sdelay $0x3  }
0x37: {  	[smem:$0x3FBA] =	sst s10  }
0x38: {  	s10 =	sld [smem:$0x3FBB]  }
0x39: {  	_ = 	snop;
	(pc) =	sbr.ind lr, $3  }
0x3a: {  	_ = 	snop  }
0x3b: {  	_ = 	snop  }
0x3c: {  	p2 =	seq.s32 s10, $0x1;
	s10 =	sld [smem:$0x3FBA]  }
0x3d: {  	_ =	shalt  }
0x3e: {  	_ =	shalt  }
0x3f: {  	_ =	shalt  }
0x40: {  	_ =	shalt  }
0x41: {  	_ =	shalt  }
0x42: {  	_ =	shalt  }
0x43: {  	_ =	shalt  }
0x44: {  	_ =	shalt  }
0x45: {  	_ =	shalt  }
0x46: {  	_ =	shalt  }
0x47: {  	_ =	shalt  }
0x48: {  	_ =	shalt  }
0x49: {  	_ =	shalt  }
0x4a: {  	_ =	shalt  }
0x4b: {  	_ =	shalt  }
0x4c: {  	_ =	shalt  }
0x4d: {  	_ =	shalt  }
0x4e: {  	_ =	shalt  }
0x4f: {  	_ =	shalt  }
0x50: {  	_ =	shalt  }
0x51: {  	_ =	shalt  }
0x52: {  	_ =	shalt  }
0x53: {  	_ =	shalt  }
0x54: {  	_ =	shalt  }
0x55: {  	_ =	shalt  }
0x56: {  	_ =	shalt  }
0x57: {  	_ =	shalt  }
0x58: {  	_ =	shalt  }
0x59: {  	_ =	shalt  }
0x5a: {  	_ =	shalt  }
0x5b: {  	_ =	shalt  }
0x5c: {  	_ =	shalt  }
0x5d: {  	_ =	shalt  }
0x5e: {  	_ =	shalt  }
0x5f: {  	_ =	shalt  }
0x60: {  	_ =	shalt  }
0x61: {  	_ =	shalt  }
0x62: {  	_ =	shalt  }
0x63: {  	_ =	shalt  }
0x64: {  	_ =	shalt  }
0x65: {  	_ =	shalt  }
0x66: {  	_ =	shalt  }
0x67: {  	_ =	shalt  }
0x68: {  	_ =	shalt  }
0x69: {  	_ =	shalt  }
0x6a: {  	_ =	shalt  }
0x6b: {  	_ =	shalt  }
0x6c: {  	_ =	shalt  }
0x6d: {  	_ =	shalt  }
0x6e: {  	_ =	shalt  }
0x6f: {  	_ =	shalt  }
0x70: {  	_ =	shalt  }
0x71: {  	_ =	shalt  }
0x72: {  	_ =	shalt  }
0x73: {  	_ =	shalt  }
0x74: {  	_ =	shalt  }
0x75: {  	_ =	shalt  }
0x76: {  	_ =	shalt  }
0x77: {  	_ =	shalt  }
0x78: {  	_ =	shalt  }
0x79: {  	_ =	shalt  }
0x7a: {  	_ =	shalt  }
0x7b: {  	_ =	shalt  }
0x7c: {  	_ =	shalt  }
0x7d: {  	_ =	shalt  }
0x7e: {  	_ =	shalt  }
0x7f: {  	_ =	shalt  }
0x80: {  	_ =	shalt  }
0x81: {  	_ =	shalt  }
0x82: {  	_ =	shalt  }
0x83: {  	_ =	shalt  }
0x84: {  	_ =	shalt  }
0x85: {  	_ =	shalt  }
0x86: {  	_ =	shalt  }
0x87: {  	_ =	shalt  }
.Lfunc_end0:
.L_simem_size_0:
called_computation_lowered:
.L_overlay_start_0:
0x88: {  	s2 =	sld [smem:$0x3FD9]  }
0x89: {  	s3 =	sld [smem:$0x3FFE];
	_ =	sdelay $0x1  }
0x8a: {  	s1 =	srdreg.scid  }
0x8b: {  	s0 =	sand.u32 $0x1, s1  }
0x8c: {  	s18 =	sshll.u32 s0, $0xA;
	s2 =	sadd.s32 s3, s2  }
0x8d: {  	s2 =	sadd.s32 s2, s18  }
0x8e: {  	[smem:$0x3FC6] =	sst s2  }
0x8f: {  	_ = 	snop  }
0x90: {  	s2 =	sld [smem:$0x3FC9]  }
0x91: {  	s19 =	sld [smem:$0x3FC8]  }
0x92: {  	s4 =	sld [smem:$0x3FD0];
	(tm) =	ssettm $0x1  }
0x93: {  	s5 =	sld [smem:$0x3FFB];
	_ =	sdelay $0x3  }
0x94: {  	_ =	strace s5  }
0x95: {  	s5 =	sld [smem:$0x3FFC];
	_ =	sdelay $0x3  }
0x96: {  	_ =	strace s5  }
0x97: {  	s5 =	sld [smem:$0x3FFD];
	_ =	sdelay $0x3  }
0x98: {  	_ =	strace s5  }
0x99: {  	_ =	strace $0x8FFFFFFF  }
0x9a: {  	s20 =	sld [smem:$0x3FDB];
	_ =	sdelay $0x1  }
0x9b: {  	s6 =	simm.s32 $_scs_section_size  }
0x9c: {  	s7 =	simm.s32 $_size__tile_overlayer_lowered;
	s8 =	simm.s32 $_tile_overlayer_lowered  }
0x9d: {  	s23 =	simm.s32 $0x1BFF;
	s22 =	sshll.u32 s8, $0x1;
	s5 =	sadd.s32 s6, s20  }
0x9e: {  	s9 =	simm.s32 $0x0;
	s21 =	sshll.u32 s7, $0x1;
	s7 =	sadd.s32 s22, s5  }
0x9f: {  	[timem:s9], [sflag:s23] =	dma.local [hbm:s7], s21  }
0xa0: {  	_ =	swait.ge [sflag:s23], s21  }
0xa1: {  	s6 =	ssub.s32 $0x0, s21;
	[sflag:s23] =	ssyncset.done $0x0  }
0xa2: {  	[sflag:s23] =	ssyncadd.s32 s6;
	_ =	sdelay $0x1  }
0xa3: {  	s24 =	simm.s32 $0x1B8B  }
0xa4: {  	_ =	swait.ge [sflag:s24], $0x1  }
0xa5: {  	[sflag:s24] =	ssyncset.done $0x0  }
0xa6: {  	s25 =	simm.s32 $0x1B8E;
	[sflag:s24] =	ssyncadd.s32 $0xFFFFFFFF  }
0xa7: {  	s26 =	simm.s32 $execute0_lowered;
	[smem:$0x3FD2] =	sst s25  }
0xa8: {  	s6 =	sshll.u32 s26, $0x1;
	_ =	strace $0x80000046;
	[dreg:$0x1] =	wrdreg $0xFFFFFFFF  }
0xa9: {  	s28 =	simm.s32 $_size_execute0_lowered;
	s5 =	sadd.s32 s5, s6;
	[dreg:$0x0] =	wrdreg $0x0  }
0xaa: {  	s6 =	sshll.u32 s28, $0x1;
	[dreg:$0x2] =	wrdreg s5  }
0xab: {  	[dreg:$0x3] =	wrdreg s6  }
0xac: {  	[dreg:$0x4] =	wrdreg $0xC0  }
0xad: {  	_ =	task [dreg:s9], $0x5FFFF  }
0xae: {  	[dreg:$0x1] =	wrdreg $0xFFFFFFFF  }
0xaf: {  	[dreg:$0x0] =	wrdreg $0x60  }
0xb0: {  	[dreg:$0x2] =	wrdreg s2  }
0xb1: {  	[dreg:$0x3] =	wrdreg s19  }
0xb2: {  	[dreg:$0x4] =	wrdreg s4  }
0xb3: {  	[dreg:$0x5] =	wrdreg $0x9  }
0xb4: {  	_ =	task.clear_ibuf [dreg:s9], $0x6FFFF;
	_ =	strace $0x90000046  }
0xb5: {  	s29 =	simm.s32 $0x9;
	_ =	strace $0x80000048  }
0xb6: {  	_ =	swait.ge [sflag:s29], $0x1  }
0xb7: {  	[sflag:s29] =	ssyncadd.s32 $0xFFFFFFFF  }
0xb8: {  	_ =	strace $0x90000048  }
0xb9: {  	_ =	sfence  }
0xba: {  	s30 =	sld [smem:$0x0];
	_ =	sdelay $0x2  }
0xbb: {  	s31 =	sshll.u32 s1, $0xD;
	s1 =	sshrl.u32 s1, $0x2  }
0xbc: {  	s3 =	sand.u32 $0x4000, s31;
	s1 =	sadd.s32 s1, s30  }
0xbd: {  	s0 =	sor.u32 s3, s0;
	s1 =	sshll.u32 s1, $0x11  }
0xbe: {  	s0 =	sor.u32 s1, s0  }
0xbf: {  	s0 =	sadd.s32 $0x8F2B, s0  }
0xc0: {  	[sflag:s0] =	ssyncadd.remote.s32 $0x1  }
0xc1: {  	_ =	sfence.sel $0xFFFF  }
0xc2: {  	[dreg:$0x0] =	wrdreg $0xFFFFFFFF;
	(pc) =	sbr.abs _section_cstart, $3  }
0xc3: {  	[dreg:$0x1] =	wrdreg $0xFFFFFFFF  }
0xc4: {  	_ =	task.clear_ibuf [dreg:s9], $0x2FFFF;
	_ =	strace $0x9FFFFFFF  }
0xc5: {  	(tm) =	ssettm $0x7FFFFFFF  }
tec
execute0_lowered:
.L_overlay_start_1:
0x0: {  	(tag) =	ssettag $0x1  }
0x1: {  	s2 =	srdreg.scid;
	s6 =	rddreg [dreg:$0x1]  }
0x2: {  	s0 =	stileid.u32;
	s3 =	rddreg [dreg:$0x2];
	s4 =	simm.s32 $0x0  }
0x3: {  	s11 =	simm.s32 $0x1;
	s12 =	simm.s32 $0x4000;
	s13 =	simm.s32 $0x2  }
0x4: {  	s14 =	simm.s32 $0x0;
	s9 =	sand.u32 $0x1, s2;
	s5 =	sshll.u32 s0, $0x8  }
0x5: {  	[smem:$0x7FF] =	sst s4;
	s31 =	sshll.u32 s0, $0xC;
	s7 =	sshll.u32 s9, $0x7  }
.Ltmp0:
0x6: {  	s30 =	ssub.s32 $0x2, s9;
	s5 =	sor.u32 s7, s5;
	(pc) =	sbr.rel .LBB2_1-.Ltmp0, $4  }
0x7: {  	_ =	strace $0x80000047;
	s9 =	sshll.u32 s9, $0xB;
	s8 =	sshll.u32 s5, $0x4  }
0x8: {  	s10 =	sshrl.u32 s30, $0x1;
	s9 =	sor.u32 s9, s31;
	s6 =	sadd.s32 s8, s6  }
0x9: {  	s10 =	ssub.s32 s30, s10;
	s7 =	sadd.s32 s3, s8;
	s1 =	sadd.s32 $0x20, s6  }
0xa: {  	v0 =	vimm.f32 $0.0e+00;
	s8 =	smax.u32 s10, $0x1;
	s10 =	simm.s32 $0x8000;
	[dreg:$0x4] =	wrdreg s1  }
.LBB2_13:
0xb: {  	s14 =	sadd.s32 $0x1, s14  }
0xc: {  	p0 =	sne.s32 s14, s8  }
.Ltmp1:
0xd: {  	_ = 	snop;
	(pc) =	sbr.rel @!p0 .LBB2_14-.Ltmp1, $4  }
0xe: {  	_ = 	snop  }
0xf: {  	_ =	swait.ge [sflag:s13], $0x8000  }
0x10: {  	[sflag:s13] =	ssyncset.done $0x0  }
0x11: {  	[sflag:s13] =	ssyncadd.s32 $0xFFFF8000  }
.LBB2_1:
0x12: {  	s0 =	rddreg [dreg:$0x4]  }
0x13: {  	[tilespmem:s4], [sflag:$0x1] =	stream.linear.gather [hbm4b:s0+s4], $0x4000, $0x38;
	[tilespmem:$0x8010] =	vst v63  }
0x14: {  	s31 =	rddreg [dreg:$0x0];
	s15 =	simm.s32 $0x0;
	s16 =	simm.s32 $0x200  }
0x15: {  	[tilespmem:s10], [sflag:$0x1] =	stream.linear.gather [hbm4b:s31+s4], $0x10, $0x38;
	[tilespmem:$0x8010] =	vst v63  }
.LBB2_2:
0x16: {  	p0 =	sne.s32 s16, $0xFE00;
	[tilespmem:s15+$0x4070] =	vst v0  }
0x17: {  	[tilespmem:s15+$0x4000] =	vst v0  }
0x18: {  	[tilespmem:s15+$0x4010] =	vst v0  }
.Ltmp2:
0x19: {  	[tilespmem:s15+$0x4020] =	vst v0;
	(pc) =	sbr.rel @p0 .LBB2_2-.Ltmp2, $4  }
0x1a: {  	[tilespmem:s15+$0x4030] =	vst v0  }
0x1b: {  	[tilespmem:s15+$0x4040] =	vst v0  }
0x1c: {  	[tilespmem:s15+$0x4050] =	vst v0  }
0x1d: {  	[tilespmem:s15+$0x4060] =	vst v0;
	s15 =	sshra.s32 s16, $0x2;
	s16 =	sadd.s32 $0x200, s16  }
0x1e: {  	[tilespmem:s15+$0x4070] =	vst v0  }
0x1f: {  	[tilespmem:s15+$0x4000] =	vst v0  }
0x20: {  	[tilespmem:s15+$0x4010] =	vst v0  }
0x21: {  	[tilespmem:s15+$0x4020] =	vst v0  }
0x22: {  	[tilespmem:s15+$0x4030] =	vst v0  }
0x23: {  	[tilespmem:s15+$0x4040] =	vst v0  }
0x24: {  	[tilespmem:s15+$0x4050] =	vst v0  }
0x25: {  	[tilespmem:s15+$0x4060] =	vst v0  }
0x26: {  	_ =	swait.ge [sflag:s11], $0x4000  }
.Ltmp3:
0x27: {  	[sflag:s11] =	ssyncset.done $0x0;
	(pc) =	sbr.rel .LBB2_4-.Ltmp3, $4  }
0x28: {  	[sflag:s11] =	ssyncadd.s32 $0xFFFFC000  }
0x29: {  	_ =	swait.ge [sflag:s11], $0x10  }
0x2a: {  	s15 =	simm.s32 $0x0;
	[sflag:s11] =	ssyncset.done $0x0  }
0x2b: {  	s16 =	smov.u32 s3;
	s17 =	simm.s32 $0x0;
	[sflag:s11] =	ssyncadd.s32 $0xFFFFFFF0  }
.LBB2_12:
0x2c: {  	s15 =	sadd.s32 $0x80000, s15  }
0x2d: {  	p0 =	sne.s32 s15, $0x800000  }
.Ltmp4:
0x2e: {  	_ = 	snop;
	(pc) =	sbr.rel @!p0 .LBB2_13-.Ltmp4, $2  }
0x2f: {  	_ =	sdelay $0x2  }
0x30: {  	s17 =	sadd.s32 $0x1, s17;
	s16 =	sadd.s32 $0x10000, s16  }
.LBB2_4:
0x31: {  	v1 =	vmov s17;
	_ =	sdelay $0x4  }
0x32: {  	v1 =	vld.idx.msk [tilespmem:v1+s10+$0x0], $0xffff;
	_ =	sdelay $0x4  }
0x33: {  	(v2sf) =	vpush v1, $0x0;
	_ =	sdelay $0xe  }
0x34: {  	s18 =	spop (v2sf)  }
0x35: {  	s18 =	ssub.s32 s18, s5  }
0x36: {  	p0 =	sgt.s32 s18, $0x0;
	s19 =	smov.u32 s18  }
0x37: {  	s19 =	simm.s32 @!p0 $0x0  }
0x38: {  	s25 =	smin.u32 s19, $0x80  }
0x39: {  	p1 =	seq.s32 s25, $0x80  }
.Ltmp5:
0x3a: {  	_ = 	snop;
	(pc) =	sbr.rel @p1 .LBB2_7-.Ltmp5, $1  }
0x3b: {  	_ =	sdelay $0x3  }
0x3c: {  	p0 =	sne.s32 s25, $0x0  }
.Ltmp6:
0x3d: {  	_ = 	snop;
	(pc) =	sbr.rel @p0 .LBB2_10-.Ltmp6, $1  }
0x3e: {  	_ =	sdelay $0x3  }
.Ltmp7:
0x3f: {  	(pc) =	sbr.rel .LBB2_9-.Ltmp7, $2  }
0x40: {  	_ =	sdelay $0x2  }
0x41: {  	s19 =	sadd.s32 s16, s9  }
.LBB2_7:
.Ltmp8:
0x42: {  	(pc) =	sbr.rel @p0 .LBB2_10-.Ltmp8, $3  }
0x43: {  	_ =	sdelay $0x1  }
0x44: {  	s19 =	sadd.s32 s16, s9  }
0x45: {  	[hbm4b:s19+s4] =	stream.linear.scatter [tilespmem:s4], [sflag:$0x2], $0x4000, $0x38;
	[tilespmem:$0x8010] =	vst v63  }
0x46: {  	s19 =	sshll.u32 s17, $0x10  }
0x47: {  	s19 =	sadd.s32 s19, s7  }
.LBB2_9:
0x48: {  	[hbm4b:s19+s4] =	stream.linear.scatter [tilespmem:s12], [sflag:$0x2], $0x4000, $0x38;
	[tilespmem:$0x8010] =	vst v63  }
.LBB2_10:
0x49: {  	s18 =	sadd.s32 $0xFFFFFFFF, s18  }
0x4a: {  	p0 =	sgt.u32 s18, $0x7E  }
.Ltmp9:
0x4b: {  	_ = 	snop;
	(pc) =	sbr.rel @p0 .LBB2_12-.Ltmp9, $1  }
0x4c: {  	_ =	sdelay $0x3  }
0x4d: {  	s18 =	sand.u32 $0x40, s25  }
0x4e: {  	p0 =	seq.s32 s18, $0x0  }
0x4f: {  	s19 =	sadd.s32 @!p0 s16, s9;
	s20 =	simm.s32 @!p0 $0x0  }
0x50: {  	[hbm4b:s19+s20] =	stream.linear.scatter @!p0 [tilespmem:s20], [sflag:$0x2], $0x2000, $0x38;
	[tilespmem:$0x8010] =	vst v63  }
0x51: {  	s19 =	sand.u32 $0x20, s25  }
0x52: {  	p0 =	seq.s32 s19, $0x0  }
0x53: {  	s20 =	sadd.s32 @!p0 s18, s5  }
0x54: {  	s20 =	sshll.u32 @!p0 s20, $0x4  }
0x55: {  	s21 =	sshll.u32 @!p0 s18, $0x7;
	s22 =	simm.s32 @!p0 $0x0;
	s20 =	sadd.s32 @!p0 s20, s16  }
0x56: {  	[hbm4b:s20+s22] =	stream.linear.scatter @!p0 [tilespmem:s21], [sflag:$0x2], $0x1000, $0x38;
	[tilespmem:$0x8010] =	vst v63  }
0x57: {  	s20 =	sand.u32 $0x10, s25  }
0x58: {  	s30 =	sor.u32 s5, s18;
	p0 =	seq.s32 s20, $0x0  }
0x59: {  	s22 =	sor.u32 s19, s30;
	s21 =	sadd.s32 @!p0 s18, s5  }
0x5a: {  	s23 =	ssub.s32 @!p0 s22, s5;
	s21 =	sadd.s32 @!p0 s19, s21  }
0x5b: {  	s23 =	sshll.u32 @!p0 s23, $0x9;
	s21 =	sshll.u32 @!p0 s21, $0x4  }
0x5c: {  	s24 =	simm.s32 @!p0 $0x0;
	s23 =	sshra.s32 @!p0 s23, $0x2;
	s21 =	sadd.s32 @!p0 s21, s16  }
0x5d: {  	[hbm4b:s21+s24] =	stream.linear.scatter @!p0 [tilespmem:s23], [sflag:$0x2], $0x800, $0x38;
	[tilespmem:$0x8010] =	vst v63  }
0x5e: {  	s21 =	sand.u32 $0x8, s25  }
0x5f: {  	p0 =	seq.s32 s21, $0x0  }
0x60: {  	s23 =	sadd.s32 @!p0 s18, s5  }
0x61: {  	s24 =	sor.u32 s20, s22;
	s22 =	sadd.s32 @!p0 s19, s23  }
0x62: {  	s23 =	ssub.s32 @!p0 s24, s5;
	s22 =	sadd.s32 @!p0 s20, s22  }
0x63: {  	s23 =	sshll.u32 @!p0 s23, $0x9;
	s22 =	sshll.u32 @!p0 s22, $0x4  }
0x64: {  	s26 =	simm.s32 @!p0 $0x0;
	s23 =	sshra.s32 @!p0 s23, $0x2;
	s22 =	sadd.s32 @!p0 s22, s16  }
0x65: {  	[hbm4b:s22+s26] =	stream.linear.scatter @!p0 [tilespmem:s23], [sflag:$0x2], $0x400, $0x38;
	[tilespmem:$0x8010] =	vst v63  }
0x66: {  	s22 =	sand.u32 $0x4, s25  }
0x67: {  	p0 =	seq.s32 s22, $0x0  }
0x68: {  	s23 =	sadd.s32 @!p0 s18, s5  }
0x69: {  	s23 =	sadd.s32 @!p0 s19, s23  }
0x6a: {  	s23 =	sadd.s32 @!p0 s20, s23  }
0x6b: {  	s23 =	sadd.s32 @!p0 s21, s23  }
0x6c: {  	s24 =	sor.u32 s21, s24;
	s23 =	sshll.u32 @!p0 s23, $0x7  }
0x6d: {  	s26 =	ssub.s32 @!p0 s24, s5;
	s23 =	sadd.s32 @!p0 s23, s15  }
0x6e: {  	s26 =	sshll.u32 @!p0 s26, $0x9;
	s23 =	sshrl.u32 @!p0 s23, $0x3  }
0x6f: {  	s28 =	simm.s32 @!p0 $0x0;
	s26 =	sshra.s32 @!p0 s26, $0x2;
	s23 =	sadd.s32 @!p0 s3, s23  }
0x70: {  	[hbm4b:s23+s28] =	stream.linear.scatter @!p0 [tilespmem:s26], [sflag:$0x2], $0x200, $0x38;
	[tilespmem:$0x8010] =	vst v63  }
0x71: {  	s23 =	sand.u32 $0x2, s25  }
0x72: {  	p0 =	seq.s32 s23, $0x0  }
0x73: {  	s26 =	sadd.s32 @!p0 s18, s5  }
0x74: {  	s26 =	sadd.s32 @!p0 s19, s26  }
0x75: {  	s26 =	sadd.s32 @!p0 s20, s26  }
0x76: {  	s26 =	sadd.s32 @!p0 s21, s26  }
0x77: {  	s26 =	sadd.s32 @!p0 s22, s26  }
0x78: {  	s28 =	sor.u32 s22, s24;
	s24 =	sshll.u32 @!p0 s26, $0x7  }
0x79: {  	s26 =	ssub.s32 @!p0 s28, s5;
	s24 =	sadd.s32 @!p0 s24, s15  }
0x7a: {  	s26 =	sshll.u32 @!p0 s26, $0x9;
	s24 =	sshrl.u32 @!p0 s24, $0x3  }
0x7b: {  	s29 =	simm.s32 @!p0 $0x0;
	s26 =	sshra.s32 @!p0 s26, $0x2;
	s24 =	sadd.s32 @!p0 s3, s24  }
0x7c: {  	[hbm4b:s24+s29] =	stream.linear.scatter @!p0 [tilespmem:s26], [sflag:$0x2], $0x100, $0x38;
	[tilespmem:$0x8010] =	vst v63  }
0x7d: {  	s24 =	sand.u32 $0x1, s25  }
0x7e: {  	p0 =	seq.s32 s24, $0x0  }
0x7f: {  	s26 =	sadd.s32 @!p0 s18, s5  }
0x80: {  	s26 =	sadd.s32 @!p0 s19, s26  }
0x81: {  	s26 =	sadd.s32 @!p0 s20, s26  }
0x82: {  	s26 =	sadd.s32 @!p0 s21, s26  }
0x83: {  	s26 =	sadd.s32 @!p0 s22, s26  }
0x84: {  	s26 =	sadd.s32 @!p0 s23, s26  }
0x85: {  	s28 =	sadd.s32 s23, s28;
	s26 =	sshll.u32 @!p0 s26, $0x7  }
0x86: {  	s28 =	ssub.s32 @!p0 s28, s5;
	s26 =	sadd.s32 @!p0 s26, s15  }
0x87: {  	s25 =	ssub.s32 $0x80, s25;
	s28 =	sshll.u32 @!p0 s28, $0x9;
	s26 =	sshrl.u32 @!p0 s26, $0x3  }
0x88: {  	s29 =	simm.s32 @!p0 $0x0;
	s28 =	sshra.s32 @!p0 s28, $0x2;
	s26 =	sadd.s32 @!p0 s3, s26  }
0x89: {  	[hbm4b:s26+s29] =	stream.linear.scatter @!p0 [tilespmem:s28], [sflag:$0x2], $0x80, $0x38;
	[tilespmem:$0x8010] =	vst v63  }
0x8a: {  	s26 =	sand.u32 $0x40, s25  }
0x8b: {  	p0 =	seq.s32 s26, $0x0  }
0x8c: {  	s28 =	sadd.s32 @!p0 s18, s5  }
0x8d: {  	s28 =	sadd.s32 @!p0 s19, s28  }
0x8e: {  	s28 =	sadd.s32 @!p0 s20, s28  }
0x8f: {  	s28 =	sadd.s32 @!p0 s21, s28  }
0x90: {  	s28 =	sadd.s32 @!p0 s22, s28  }
0x91: {  	s28 =	sadd.s32 @!p0 s23, s28  }
0x92: {  	s28 =	sadd.s32 @!p0 s24, s28  }
0x93: {  	s28 =	sshll.u32 @!p0 s28, $0x7  }
0x94: {  	s28 =	sadd.s32 @!p0 s28, s15  }
0x95: {  	s28 =	sshrl.u32 @!p0 s28, $0x3  }
0x96: {  	s29 =	simm.s32 @!p0 $0x0;
	s30 =	simm.s32 @!p0 $0x4000;
	s28 =	sadd.s32 @!p0 s3, s28  }
0x97: {  	[hbm4b:s28+s29] =	stream.linear.scatter @!p0 [tilespmem:s30], [sflag:$0x2], $0x2000, $0x38;
	[tilespmem:$0x8010] =	vst v63  }
0x98: {  	s28 =	sand.u32 $0x20, s25  }
0x99: {  	p0 =	seq.s32 s28, $0x0  }
0x9a: {  	s29 =	sadd.s32 @!p0 s18, s5  }
0x9b: {  	s29 =	sadd.s32 @!p0 s26, s29  }
0x9c: {  	s29 =	sadd.s32 @!p0 s19, s29  }
0x9d: {  	s29 =	sadd.s32 @!p0 s20, s29  }
0x9e: {  	s29 =	sadd.s32 @!p0 s21, s29  }
0x9f: {  	s29 =	sadd.s32 @!p0 s22, s29  }
0xa0: {  	s29 =	sadd.s32 @!p0 s23, s29  }
0xa1: {  	s29 =	sadd.s32 @!p0 s24, s29  }
0xa2: {  	s29 =	sshll.u32 @!p0 s29, $0x7  }
0xa3: {  	s29 =	sadd.s32 @!p0 s29, s15  }
0xa4: {  	s29 =	sshrl.u32 @!p0 s29, $0x3  }
0xa5: {  	s30 =	simm.s32 @!p0 $0x0;
	s31 =	simm.s32 @!p0 $0x4000;
	s29 =	sadd.s32 @!p0 s3, s29  }
0xa6: {  	[hbm4b:s29+s30] =	stream.linear.scatter @!p0 [tilespmem:s31], [sflag:$0x2], $0x1000, $0x38;
	[tilespmem:$0x8010] =	vst v63  }
0xa7: {  	s29 =	sand.u32 $0x10, s25  }
0xa8: {  	p0 =	seq.s32 s29, $0x0  }
0xa9: {  	s30 =	sadd.s32 @!p0 s18, s5  }
0xaa: {  	s30 =	sadd.s32 @!p0 s26, s30  }
0xab: {  	s30 =	sadd.s32 @!p0 s19, s30  }
0xac: {  	s30 =	sadd.s32 @!p0 s28, s30  }
0xad: {  	s30 =	sadd.s32 @!p0 s20, s30  }
0xae: {  	s30 =	sadd.s32 @!p0 s21, s30  }
0xaf: {  	s30 =	sadd.s32 @!p0 s22, s30  }
0xb0: {  	s30 =	sadd.s32 @!p0 s23, s30  }
0xb1: {  	s30 =	sadd.s32 @!p0 s24, s30  }
0xb2: {  	s30 =	sshll.u32 @!p0 s30, $0x7  }
0xb3: {  	s30 =	sadd.s32 @!p0 s30, s15  }
0xb4: {  	s30 =	sshrl.u32 @!p0 s30, $0x3  }
0xb5: {  	s31 =	simm.s32 @!p0 $0x0;
	s2 =	simm.s32 @!p0 $0x4000;
	s30 =	sadd.s32 @!p0 s3, s30  }
0xb6: {  	[hbm4b:s30+s31] =	stream.linear.scatter @!p0 [tilespmem:s2], [sflag:$0x2], $0x800, $0x38;
	[tilespmem:$0x8010] =	vst v63  }
0xb7: {  	s30 =	sand.u32 $0x8, s25  }
0xb8: {  	p0 =	seq.s32 s30, $0x0  }
0xb9: {  	s2 =	sadd.s32 @!p0 s18, s5  }
0xba: {  	s2 =	sadd.s32 @!p0 s26, s2  }
0xbb: {  	s2 =	sadd.s32 @!p0 s19, s2  }
0xbc: {  	s2 =	sadd.s32 @!p0 s28, s2  }
0xbd: {  	s2 =	sadd.s32 @!p0 s20, s2  }
0xbe: {  	s2 =	sadd.s32 @!p0 s29, s2  }
0xbf: {  	s2 =	sadd.s32 @!p0 s21, s2  }
0xc0: {  	s2 =	sadd.s32 @!p0 s22, s2  }
0xc1: {  	s2 =	sadd.s32 @!p0 s23, s2  }
0xc2: {  	s2 =	sadd.s32 @!p0 s24, s2  }
0xc3: {  	s2 =	sshll.u32 @!p0 s2, $0x7  }
0xc4: {  	s2 =	sadd.s32 @!p0 s2, s15  }
0xc5: {  	s2 =	sshrl.u32 @!p0 s2, $0x3  }
0xc6: {  	s31 =	simm.s32 @!p0 $0x0;
	s0 =	simm.s32 @!p0 $0x4000;
	s2 =	sadd.s32 @!p0 s3, s2  }
0xc7: {  	[hbm4b:s2+s31] =	stream.linear.scatter @!p0 [tilespmem:s0], [sflag:$0x2], $0x400, $0x38;
	[tilespmem:$0x8010] =	vst v63  }
0xc8: {  	s0 =	sand.u32 $0x4, s25  }
0xc9: {  	p0 =	seq.s32 s0, $0x0  }
0xca: {  	s2 =	sadd.s32 @!p0 s18, s5  }
0xcb: {  	s2 =	sadd.s32 @!p0 s26, s2  }
0xcc: {  	s2 =	sadd.s32 @!p0 s19, s2  }
0xcd: {  	s2 =	sadd.s32 @!p0 s28, s2  }
0xce: {  	s2 =	sadd.s32 @!p0 s20, s2  }
0xcf: {  	s2 =	sadd.s32 @!p0 s29, s2  }
0xd0: {  	s2 =	sadd.s32 @!p0 s21, s2  }
0xd1: {  	s2 =	sadd.s32 @!p0 s30, s2  }
0xd2: {  	s2 =	sadd.s32 @!p0 s22, s2  }
0xd3: {  	s2 =	sadd.s32 @!p0 s23, s2  }
0xd4: {  	s2 =	sadd.s32 @!p0 s24, s2  }
0xd5: {  	s2 =	sshll.u32 @!p0 s2, $0x7  }
0xd6: {  	s2 =	sadd.s32 @!p0 s2, s15  }
0xd7: {  	s2 =	sshrl.u32 @!p0 s2, $0x3  }
0xd8: {  	s31 =	simm.s32 @!p0 $0x0;
	s1 =	simm.s32 @!p0 $0x4000;
	s2 =	sadd.s32 @!p0 s3, s2  }
0xd9: {  	[hbm4b:s2+s31] =	stream.linear.scatter @!p0 [tilespmem:s1], [sflag:$0x2], $0x200, $0x38;
	[tilespmem:$0x8010] =	vst v63  }
0xda: {  	s1 =	sand.u32 $0x2, s25  }
0xdb: {  	p0 =	seq.s32 s1, $0x0  }
0xdc: {  	s2 =	sadd.s32 @!p0 s18, s5  }
0xdd: {  	s2 =	sadd.s32 @!p0 s26, s2  }
0xde: {  	s2 =	sadd.s32 @!p0 s19, s2  }
0xdf: {  	s2 =	sadd.s32 @!p0 s28, s2  }
0xe0: {  	s2 =	sadd.s32 @!p0 s20, s2  }
0xe1: {  	s2 =	sadd.s32 @!p0 s29, s2  }
0xe2: {  	s2 =	sadd.s32 @!p0 s21, s2  }
0xe3: {  	s2 =	sadd.s32 @!p0 s30, s2  }
0xe4: {  	s2 =	sadd.s32 @!p0 s22, s2  }
0xe5: {  	s2 =	sadd.s32 @!p0 s0, s2  }
0xe6: {  	s2 =	sadd.s32 @!p0 s23, s2  }
0xe7: {  	s2 =	sadd.s32 @!p0 s24, s2  }
0xe8: {  	s2 =	sshll.u32 @!p0 s2, $0x7  }
0xe9: {  	s2 =	sadd.s32 @!p0 s2, s15  }
0xea: {  	s2 =	sshrl.u32 @!p0 s2, $0x3  }
0xeb: {  	s31 =	simm.s32 @!p0 $0x0;
	s6 =	simm.s32 @!p0 $0x4000;
	s2 =	sadd.s32 @!p0 s3, s2  }
0xec: {  	[hbm4b:s2+s31] =	stream.linear.scatter @!p0 [tilespmem:s6], [sflag:$0x2], $0x100, $0x38;
	[tilespmem:$0x8010] =	vst v63  }
0xed: {  	s31 =	sand.u32 $0x1, s25  }
0xee: {  	p0 =	seq.s32 s31, $0x0  }
0xef: {  	s2 =	sadd.s32 @!p0 s18, s5  }
0xf0: {  	s2 =	sadd.s32 @!p0 s26, s2  }
0xf1: {  	s2 =	sadd.s32 @!p0 s19, s2  }
0xf2: {  	s2 =	sadd.s32 @!p0 s28, s2  }
0xf3: {  	s2 =	sadd.s32 @!p0 s20, s2  }
0xf4: {  	s2 =	sadd.s32 @!p0 s29, s2  }
0xf5: {  	s2 =	sadd.s32 @!p0 s21, s2  }
0xf6: {  	s2 =	sadd.s32 @!p0 s30, s2  }
0xf7: {  	s2 =	sadd.s32 @!p0 s22, s2  }
0xf8: {  	s0 =	sadd.s32 @!p0 s0, s2  }
0xf9: {  	s0 =	sadd.s32 @!p0 s23, s0  }
0xfa: {  	s0 =	sadd.s32 @!p0 s1, s0  }
0xfb: {  	s0 =	sadd.s32 @!p0 s24, s0  }
.Ltmp10:
0xfc: {  	s0 =	sshll.u32 @!p0 s0, $0x7;
	(pc) =	sbr.rel .LBB2_12-.Ltmp10, $4  }
0xfd: {  	s0 =	sadd.s32 @!p0 s0, s15  }
0xfe: {  	s0 =	sshrl.u32 @!p0 s0, $0x3  }
0xff: {  	s2 =	simm.s32 @!p0 $0x4000;
	s1 =	simm.s32 @!p0 $0x0;
	s0 =	sadd.s32 @!p0 s3, s0  }
0x100: {  	[hbm4b:s0+s1] =	stream.linear.scatter @!p0 [tilespmem:s2], [sflag:$0x2], $0x80, $0x38;
	[tilespmem:$0x8010] =	vst v63  }
.LBB2_14:
0x101: {  	_ =	sfence.sel $0x180000  }
0x102: {  	[bflag:$0x0] =	sbarrier.arrive $0xFFFF  }
0x103: {  	_ =	strace $0x90000047  }
0x104: {  	s0 =	stileid.u32;
	[bflag:$0x2] =	sbarrier.arrive $0xFFFF  }
0x105: {  	p0 =	sne.s32 s0, $0x0;
	s0 =	rddreg [dreg:$0x3]  }
0x106: {  	s0 =	sadd.s32 @!p0 $0x100000, s0  }
0x107: {  	[sflag:s0] =	ssyncadd.tile.s32 @!p0 $0x1;
	_ =	shalt  }
.Lfunc_end2:
_tile_overlayer_lowered:
.L_overlay_start_2:
0x108: {  	(tag) =	ssettag $0x2  }
0x109: {  	s0 =	rddreg [dreg:$0x0];
	s2 =	stileid.u32  }
0x10a: {  	s1 =	rddreg [dreg:$0x1];
	p0 =	sne.s32 s2, $0x0  }
0x10b: {  	s3 =	rddreg [dreg:$0x2];
	[bflag:$0x3] =	sbarrier.arrive $0xFFFF;
	s2 =	simm.s32 @!p0 $0x1C03  }
0x10c: {  	[timem:s3], [sflag:s2] =	dma.local @!p0 [hbm:s0], s1  }
0x10d: {  	s0 =	simm.s32 @!p0 $0x3  }
0x10e: {  	_ =	swait.ge @!p0 [sflag:s0], s1  }
0x10f: {  	s1 =	ssub.s32 @!p0 $0x0, s1;
	[sflag:s0] =	ssyncset.done @!p0 $0x0  }
0x110: {  	[sflag:s0] =	ssyncadd.s32 @!p0 s1  }
0x111: {  	[bflag:$0x3] =	sbarrier.arrive $0xFFFF  }
0x112: {  	_ =	shalt  }

</sc_bundles>
